<compile_context>
chip_gen: v7x
topology: tpu7x:2x2x1
jax: 0.10.2.dev20260603
libtpu: 0.0.44.dev20260713+nightly
codegen_flags: <defaults>
</compile_context>

<pallas_src>
import functools

import jax
import jax.numpy as jnp
from jax import lax
from jax.experimental import pallas as pl
from jax.experimental.pallas import tpu as pltpu
from jax.experimental.pallas import tpu_sc as plsc

T = 8
D = 2048
OUT = 1024
B = 4096

TILE = 256
MAX_TILES = B // TILE + T - 1
PMAX = MAX_TILES * TILE
NTT = 32

NC, NS = 2, 16
NW = NC * NS
BW = B // NW
CHS = 32
CHG = 64


def _route_body(lab_ref, dst_ref, tt_ref, tv_ref):
    labs = lab_ref[...]
    lower = (lax.broadcasted_iota(jnp.int32, (NW, NW), 1)
             < lax.broadcasted_iota(jnp.int32, (NW, NW), 0)).astype(jnp.float32)
    upper = (lax.broadcasted_iota(jnp.int32, (BW, BW), 0)
             < lax.broadcasted_iota(jnp.int32, (BW, BW), 1)).astype(jnp.float32)

    dstf = jnp.zeros((NW, BW), jnp.float32)
    jlane = lax.broadcasted_iota(jnp.int32, (1, NTT), 1).astype(jnp.float32)
    cnt_tiles = jnp.zeros((1, NTT), jnp.float32)
    pbase = 0.0
    ntiles = 0.0
    for t in range(T):
        oh = (labs == t).astype(jnp.float32)
        cnt = jnp.sum(oh, axis=0, keepdims=True)
        tot = jnp.sum(cnt)
        padded = jnp.ceil(tot / TILE) * TILE
        pref = lax.dot_general(cnt, upper, (((1,), (0,)), ((), ())))
        wtn = lax.dot_general(lower, oh, (((1,), (0,)), ((), ())))
        dstf = dstf + oh * (pbase + pref + wtn)
        etile = (pbase + padded) / TILE
        cnt_tiles = cnt_tiles + (jlane >= etile).astype(jnp.float32)
        pbase = pbase + padded
        ntiles = etile
    dst_ref[...] = dstf.astype(jnp.int32)
    tt_ref[...] = jnp.minimum(cnt_tiles, float(T - 1)).astype(jnp.int32)
    tv_ref[...] = (jlane < ntiles).astype(jnp.int32)


def _scatter_body(x_hbm, dst_hbm, xs_hbm, idxv, rows, sem):
    cid = lax.axis_index("c")
    sid = lax.axis_index("s")
    wid = cid * NS + sid
    for c in range(BW // CHS):
        pltpu.sync_copy(dst_hbm.at[wid, pl.ds(c * CHS, CHS)], idxv)
        pltpu.sync_copy(x_hbm.at[pl.ds(wid * BW + c * CHS, CHS)], rows)
        pltpu.async_copy(rows, xs_hbm.at[idxv], sem).wait()


def _gather_body(os_hbm, dst_hbm, out_hbm, idxv, buf, sem):
    cid = lax.axis_index("c")
    sid = lax.axis_index("s")
    wid = cid * NS + sid
    for c in range(BW // CHG):
        pltpu.sync_copy(dst_hbm.at[wid, pl.ds(c * CHG, CHG)], idxv)
        pltpu.async_copy(os_hbm.at[idxv], buf, sem).wait()
        pltpu.sync_copy(buf, out_hbm.at[pl.ds(wid * BW + c * CHG, CHG)])


def _sc_mesh():
    return plsc.VectorSubcoreMesh(
        core_axis_name="c", subcore_axis_name="s",
        num_cores=NC, num_subcores=NS)


@functools.cache
def _get_scatter():
    return pl.kernel(
        _scatter_body,
        out_type=jax.ShapeDtypeStruct((PMAX, D), jnp.float32),
        mesh=_sc_mesh(),
        scratch_types=[
            pltpu.VMEM((CHS,), jnp.int32),
            pltpu.VMEM((CHS, D), jnp.float32),
            pltpu.SemaphoreType.DMA,
        ],
    )


@functools.cache
def _get_gather():
    return pl.kernel(
        _gather_body,
        out_type=jax.ShapeDtypeStruct((B, OUT), jnp.float32),
        mesh=_sc_mesh(),
        scratch_types=[
            pltpu.VMEM((CHG,), jnp.int32),
            pltpu.VMEM((CHG, OUT), jnp.float32),
            pltpu.SemaphoreType.DMA,
        ],
    )


def _mm_body(tt_ref, tv_ref, xs_ref, w_ref, b_ref, out_ref):
    i = pl.program_id(0)

    @pl.when(tv_ref[i] != 0)
    def _():
        out_ref[...] = lax.dot_general(
            xs_ref[...], w_ref[0],
            dimension_numbers=(((1,), (1,)), ((), ())),
            precision=lax.Precision.DEFAULT,
            preferred_element_type=jnp.float32,
        ) + b_ref[0]


def kernel(x, task_labels, W, b):
    labs = task_labels.astype(jnp.int32).reshape(NW, BW)

    dst, tt, tv = pl.pallas_call(
        _route_body,
        out_shape=(
            jax.ShapeDtypeStruct((NW, BW), jnp.int32),
            jax.ShapeDtypeStruct((1, NTT), jnp.int32),
            jax.ShapeDtypeStruct((1, NTT), jnp.int32),
        ),
    )(labs)
    tt1 = tt.reshape(NTT)
    tv1 = tv.reshape(NTT)

    xs = _get_scatter()(x, dst)

    b3 = b.reshape(T, 1, OUT)
    out_sorted = pl.pallas_call(
        _mm_body,
        grid_spec=pltpu.PrefetchScalarGridSpec(
            num_scalar_prefetch=2,
            grid=(MAX_TILES,),
            in_specs=[
                pl.BlockSpec((TILE, D), lambda i, tt, tv: (i, 0)),
                pl.BlockSpec((1, OUT, D), lambda i, tt, tv: (tt[i], 0, 0)),
                pl.BlockSpec((1, 1, OUT), lambda i, tt, tv: (tt[i], 0, 0)),
            ],
            out_specs=pl.BlockSpec((TILE, OUT), lambda i, tt, tv: (i, 0)),
        ),
        out_shape=jax.ShapeDtypeStruct((PMAX, OUT), jnp.float32),
    )(tt1, tv1, xs, W, b3)

    return _get_gather()(out_sorted, dst)

# --- scband reference (transcript-rebuilt; emitter-appended) ---
"""Pipeline reference for scband-multi-head-classifier-22832046146100 (READ-ONLY COPY).

The authoritative reference and input builder live on the scoring server;
editing this copy changes nothing except your own understanding.
"""

import jax, jax.numpy as jnp
import numpy as np

T = 8          # number of task heads (created via adaptation in the original module)
D = 2048       # in_features
OUT = 1024     # out_features per head
B = 4096       # tokens (batch*seq)


def setup_inputs(seed: int = 0) -> dict:
    key = jax.random.key(seed)
    k1, k2, k3, k4 = jax.random.split(key, 4)
    x = jax.random.normal(k1, (B, D), dtype=jnp.float32)
    task_labels = jax.random.randint(k2, (B,), 0, T)
    # per-task Linear parameters: W[t] has shape (OUT, D), b[t] shape (OUT,)
    W = jax.random.normal(k3, (T, OUT, D), dtype=jnp.float32) * 0.02
    b = jax.random.normal(k4, (T, OUT), dtype=jnp.float32) * 0.02
    return {"x": x, "task_labels": task_labels, "W": W, "b": b}


def reference(x, task_labels, W, b):
    # Faithful translation of MultiTaskModule.forward:
    # iterate over tasks, apply the task-specific Linear head to the masked
    # subset, and scatter results back into the output at the masked rows.
    n_tasks = W.shape[0]
    out = jnp.zeros((x.shape[0], W.shape[1]), dtype=x.dtype)
    for t in range(n_tasks):
        mask = task_labels == t
        # out_task = self.classifiers[str(t)](x_task)  (Linear: x @ W.T + b)
        out_t = x @ W[t].T + b[t]
        # out[task_mask] = out_task  (scatter-overwrite by mask)
        out = jnp.where(mask[:, None], out_t, out)
    return out

if __name__ == "__main__":
    import jax
    _d = setup_inputs()
    print(jax.jit(kernel)(*tuple(_d.values())))

</pallas_src>

<mosaic_0001>
#map = affine_map<(d0, d1) -> (0, 0)>
module attributes {stable_mosaic.version = 14 : i64} {
  func.func @_scatter_body(%arg0: i32, %arg1: i32, %arg2: memref<4096x2048xf32, #tpu.memory_space<hbm>>, %arg3: memref<32x128xi32, #tpu.memory_space<hbm>>, %arg4: memref<5888x2048xf32, #tpu.memory_space<hbm>>, %arg5: memref<32xi32, #tpu.memory_space<vmem>>, %arg6: memref<32x2048xf32, #tpu.memory_space<vmem>>, %arg7: memref<!tpu.dma_semaphore, #tpu.memory_space<semaphore_mem>>) attributes {dimension_semantics = [#tpu.dimension_semantics<core_parallel>, #tpu.dimension_semantics<subcore_parallel>], iteration_bounds = array<i64: 2, 16>, scalar_prefetch = 0 : i64, scratch_operands = 3 : i64, tpu.core_type = #tpu.core_type<sc_vector_subcore>, window_params = [{transform_indices = #map}, {transform_indices = #map}, {transform_indices = #map}]} {
    %mul3A = arith.constant 16 : i32
    %mul3A_0 = arith.muli %arg0, %mul3A : i32
    %add3A = arith.addi %mul3A_0, %arg1 : i32
    "tpu.region"() ({
      %run_scoped3A = tpu.sem_alloc : memref<!tpu.dma_semaphore, #tpu.memory_space<semaphore_mem>>
      %dma_start3A_39 = arith.constant 0 : i32
      %dma_start3A_40 = tpu.memref_slice %arg3[%add3A, %dma_start3A_39] : memref<32x128xi32, #tpu.memory_space<hbm>> -> memref<1x32xi32, #tpu.memory_space<hbm>>
      %dma_start3A_41 = tpu.memref_squeeze %dma_start3A_40 : memref<1x32xi32, #tpu.memory_space<hbm>> -> memref<32xi32, #tpu.memory_space<hbm>>
      %dma_start3A_42 = arith.constant 0 : i32
      %dma_start3A_43 = tpu.memref_slice %arg3[%add3A, %dma_start3A_42] : memref<32x128xi32, #tpu.memory_space<hbm>> -> memref<1x32xi32, #tpu.memory_space<hbm>>
      %dma_start3A_44 = tpu.memref_squeeze %dma_start3A_43 : memref<1x32xi32, #tpu.memory_space<hbm>> -> memref<32xi32, #tpu.memory_space<hbm>>
      tpu.enqueue_dma source(%dma_start3A_44 : memref<32xi32, #tpu.memory_space<hbm>>) target(%arg5 : memref<32xi32, #tpu.memory_space<vmem>>) target_semaphore(%run_scoped3A : memref<!tpu.dma_semaphore, #tpu.memory_space<semaphore_mem>>)
      %dma_wait3A_45 = arith.constant 0 : i32
      %dma_wait3A_46 = tpu.memref_slice %arg3[%add3A, %dma_wait3A_45] : memref<32x128xi32, #tpu.memory_space<hbm>> -> memref<1x32xi32, #tpu.memory_space<hbm>>
      %dma_wait3A_47 = tpu.memref_squeeze %dma_wait3A_46 : memref<1x32xi32, #tpu.memory_space<hbm>> -> memref<32xi32, #tpu.memory_space<hbm>>
      %dma_wait3A_48 = arith.constant 0 : i32
      %dma_wait3A_49 = tpu.memref_slice %arg3[%add3A, %dma_wait3A_48] : memref<32x128xi32, #tpu.memory_space<hbm>> -> memref<1x32xi32, #tpu.memory_space<hbm>>
      %dma_wait3A_50 = tpu.memref_squeeze %dma_wait3A_49 : memref<1x32xi32, #tpu.memory_space<hbm>> -> memref<32xi32, #tpu.memory_space<hbm>>
      tpu.wait_dma2 semaphore(%run_scoped3A : memref<!tpu.dma_semaphore, #tpu.memory_space<semaphore_mem>>) src(%dma_wait3A_50 : memref<32xi32, #tpu.memory_space<hbm>>) dst(%arg5 : memref<32xi32, #tpu.memory_space<vmem>>)
      tpu.yield
    }) : () -> ()
    %mul3A_1 = arith.constant 128 : i32
    %mul3A_2 = arith.muli %add3A, %mul3A_1 : i32
    %add3A_3 = arith.constant 0 : i32
    %add3A_4 = arith.addi %mul3A_2, %add3A_3 : i32
    "tpu.region"() ({
      %run_scoped3A = tpu.sem_alloc : memref<!tpu.dma_semaphore, #tpu.memory_space<semaphore_mem>>
      %dma_start3A_39 = arith.constant 0 : i32
      %dma_start3A_40 = tpu.memref_slice %arg2[%add3A_4, %dma_start3A_39] : memref<4096x2048xf32, #tpu.memory_space<hbm>> -> memref<32x2048xf32, #tpu.memory_space<hbm>>
      %dma_start3A_41 = arith.constant 0 : i32
      %dma_start3A_42 = tpu.memref_slice %arg2[%add3A_4, %dma_start3A_41] : memref<4096x2048xf32, #tpu.memory_space<hbm>> -> memref<32x2048xf32, #tpu.memory_space<hbm>>
      tpu.enqueue_dma source(%dma_start3A_42 : memref<32x2048xf32, #tpu.memory_space<hbm>>) target(%arg6 : memref<32x2048xf32, #tpu.memory_space<vmem>>) target_semaphore(%run_scoped3A : memref<!tpu.dma_semaphore, #tpu.memory_space<semaphore_mem>>)
      %dma_wait3A_43 = arith.constant 0 : i32
      %dma_wait3A_44 = tpu.memref_slice %arg2[%add3A_4, %dma_wait3A_43] : memref<4096x2048xf32, #tpu.memory_space<hbm>> -> memref<32x2048xf32, #tpu.memory_space<hbm>>
      %dma_wait3A_45 = arith.constant 0 : i32
      %dma_wait3A_46 = tpu.memref_slice %arg2[%add3A_4, %dma_wait3A_45] : memref<4096x2048xf32, #tpu.memory_space<hbm>> -> memref<32x2048xf32, #tpu.memory_space<hbm>>
      tpu.wait_dma2 semaphore(%run_scoped3A : memref<!tpu.dma_semaphore, #tpu.memory_space<semaphore_mem>>) src(%dma_wait3A_46 : memref<32x2048xf32, #tpu.memory_space<hbm>>) dst(%arg6 : memref<32x2048xf32, #tpu.memory_space<vmem>>)
      tpu.yield
    }) : () -> ()
    %dma_start3A = arith.constant 0 : i32
    %dma_start3A_5 = arith.constant 0 : i32
    %dma_start3A_6 = tpu.memref_slice %arg4[%dma_start3A, %dma_start3A_5] : memref<5888x2048xf32, #tpu.memory_space<hbm>> -> memref<5888x2048xf32, #tpu.memory_space<hbm>>
    tpu.enqueue_indirect_dma source(%arg6 : memref<32x2048xf32, #tpu.memory_space<vmem>>) target(%dma_start3A_6 : memref<5888x2048xf32, #tpu.memory_space<hbm>>) offsets(%arg5 : memref<32xi32, #tpu.memory_space<vmem>>) semaphore(%arg7 : memref<!tpu.dma_semaphore, #tpu.memory_space<semaphore_mem>>)
    %dma_wait3A = arith.constant 0 : i32
    %dma_wait3A_7 = arith.constant 0 : i32
    %dma_wait3A_8 = tpu.memref_slice %arg4[%dma_wait3A, %dma_wait3A_7] : memref<5888x2048xf32, #tpu.memory_space<hbm>> -> memref<5888x2048xf32, #tpu.memory_space<hbm>>
    tpu.wait_indirect_dma semaphore(%arg7 : memref<!tpu.dma_semaphore, #tpu.memory_space<semaphore_mem>>) src(%arg6 : memref<32x2048xf32, #tpu.memory_space<vmem>>) dst(%dma_wait3A_8 : memref<5888x2048xf32, #tpu.memory_space<hbm>>)
    "tpu.region"() ({
      %run_scoped3A = tpu.sem_alloc : memref<!tpu.dma_semaphore, #tpu.memory_space<semaphore_mem>>
      %dma_start3A_39 = arith.constant 32 : i32
      %dma_start3A_40 = tpu.memref_slice %arg3[%add3A, %dma_start3A_39] : memref<32x128xi32, #tpu.memory_space<hbm>> -> memref<1x32xi32, #tpu.memory_space<hbm>>
      %dma_start3A_41 = tpu.memref_squeeze %dma_start3A_40 : memref<1x32xi32, #tpu.memory_space<hbm>> -> memref<32xi32, #tpu.memory_space<hbm>>
      %dma_start3A_42 = arith.constant 32 : i32
      %dma_start3A_43 = tpu.memref_slice %arg3[%add3A, %dma_start3A_42] : memref<32x128xi32, #tpu.memory_space<hbm>> -> memref<1x32xi32, #tpu.memory_space<hbm>>
      %dma_start3A_44 = tpu.memref_squeeze %dma_start3A_43 : memref<1x32xi32, #tpu.memory_space<hbm>> -> memref<32xi32, #tpu.memory_space<hbm>>
      tpu.enqueue_dma source(%dma_start3A_44 : memref<32xi32, #tpu.memory_space<hbm>>) target(%arg5 : memref<32xi32, #tpu.memory_space<vmem>>) target_semaphore(%run_scoped3A : memref<!tpu.dma_semaphore, #tpu.memory_space<semaphore_mem>>)
      %dma_wait3A_45 = arith.constant 32 : i32
      %dma_wait3A_46 = tpu.memref_slice %arg3[%add3A, %dma_wait3A_45] : memref<32x128xi32, #tpu.memory_space<hbm>> -> memref<1x32xi32, #tpu.memory_space<hbm>>
      %dma_wait3A_47 = tpu.memref_squeeze %dma_wait3A_46 : memref<1x32xi32, #tpu.memory_space<hbm>> -> memref<32xi32, #tpu.memory_space<hbm>>
      %dma_wait3A_48 = arith.constant 32 : i32
      %dma_wait3A_49 = tpu.memref_slice %arg3[%add3A, %dma_wait3A_48] : memref<32x128xi32, #tpu.memory_space<hbm>> -> memref<1x32xi32, #tpu.memory_space<hbm>>
      %dma_wait3A_50 = tpu.memref_squeeze %dma_wait3A_49 : memref<1x32xi32, #tpu.memory_space<hbm>> -> memref<32xi32, #tpu.memory_space<hbm>>
      tpu.wait_dma2 semaphore(%run_scoped3A : memref<!tpu.dma_semaphore, #tpu.memory_space<semaphore_mem>>) src(%dma_wait3A_50 : memref<32xi32, #tpu.memory_space<hbm>>) dst(%arg5 : memref<32xi32, #tpu.memory_space<vmem>>)
      tpu.yield
    }) : () -> ()
    %mul3A_9 = arith.constant 128 : i32
    %mul3A_10 = arith.muli %add3A, %mul3A_9 : i32
    %add3A_11 = arith.constant 32 : i32
    %add3A_12 = arith.addi %mul3A_10, %add3A_11 : i32
    "tpu.region"() ({
      %run_scoped3A = tpu.sem_alloc : memref<!tpu.dma_semaphore, #tpu.memory_space<semaphore_mem>>
      %dma_start3A_39 = arith.constant 0 : i32
      %dma_start3A_40 = tpu.memref_slice %arg2[%add3A_12, %dma_start3A_39] : memref<4096x2048xf32, #tpu.memory_space<hbm>> -> memref<32x2048xf32, #tpu.memory_space<hbm>>
      %dma_start3A_41 = arith.constant 0 : i32
      %dma_start3A_42 = tpu.memref_slice %arg2[%add3A_12, %dma_start3A_41] : memref<4096x2048xf32, #tpu.memory_space<hbm>> -> memref<32x2048xf32, #tpu.memory_space<hbm>>
      tpu.enqueue_dma source(%dma_start3A_42 : memref<32x2048xf32, #tpu.memory_space<hbm>>) target(%arg6 : memref<32x2048xf32, #tpu.memory_space<vmem>>) target_semaphore(%run_scoped3A : memref<!tpu.dma_semaphore, #tpu.memory_space<semaphore_mem>>)
      %dma_wait3A_43 = arith.constant 0 : i32
      %dma_wait3A_44 = tpu.memref_slice %arg2[%add3A_12, %dma_wait3A_43] : memref<4096x2048xf32, #tpu.memory_space<hbm>> -> memref<32x2048xf32, #tpu.memory_space<hbm>>
      %dma_wait3A_45 = arith.constant 0 : i32
      %dma_wait3A_46 = tpu.memref_slice %arg2[%add3A_12, %dma_wait3A_45] : memref<4096x2048xf32, #tpu.memory_space<hbm>> -> memref<32x2048xf32, #tpu.memory_space<hbm>>
      tpu.wait_dma2 semaphore(%run_scoped3A : memref<!tpu.dma_semaphore, #tpu.memory_space<semaphore_mem>>) src(%dma_wait3A_46 : memref<32x2048xf32, #tpu.memory_space<hbm>>) dst(%arg6 : memref<32x2048xf32, #tpu.memory_space<vmem>>)
      tpu.yield
    }) : () -> ()
    %dma_start3A_13 = arith.constant 0 : i32
    %dma_start3A_14 = arith.constant 0 : i32
    %dma_start3A_15 = tpu.memref_slice %arg4[%dma_start3A_13, %dma_start3A_14] : memref<5888x2048xf32, #tpu.memory_space<hbm>> -> memref<5888x2048xf32, #tpu.memory_space<hbm>>
    tpu.enqueue_indirect_dma source(%arg6 : memref<32x2048xf32, #tpu.memory_space<vmem>>) target(%dma_start3A_15 : memref<5888x2048xf32, #tpu.memory_space<hbm>>) offsets(%arg5 : memref<32xi32, #tpu.memory_space<vmem>>) semaphore(%arg7 : memref<!tpu.dma_semaphore, #tpu.memory_space<semaphore_mem>>)
    %dma_wait3A_16 = arith.constant 0 : i32
    %dma_wait3A_17 = arith.constant 0 : i32
    %dma_wait3A_18 = tpu.memref_slice %arg4[%dma_wait3A_16, %dma_wait3A_17] : memref<5888x2048xf32, #tpu.memory_space<hbm>> -> memref<5888x2048xf32, #tpu.memory_space<hbm>>
    tpu.wait_indirect_dma semaphore(%arg7 : memref<!tpu.dma_semaphore, #tpu.memory_space<semaphore_mem>>) src(%arg6 : memref<32x2048xf32, #tpu.memory_space<vmem>>) dst(%dma_wait3A_18 : memref<5888x2048xf32, #tpu.memory_space<hbm>>)
    "tpu.region"() ({
      %run_scoped3A = tpu.sem_alloc : memref<!tpu.dma_semaphore, #tpu.memory_space<semaphore_mem>>
      %dma_start3A_39 = arith.constant 64 : i32
      %dma_start3A_40 = tpu.memref_slice %arg3[%add3A, %dma_start3A_39] : memref<32x128xi32, #tpu.memory_space<hbm>> -> memref<1x32xi32, #tpu.memory_space<hbm>>
      %dma_start3A_41 = tpu.memref_squeeze %dma_start3A_40 : memref<1x32xi32, #tpu.memory_space<hbm>> -> memref<32xi32, #tpu.memory_space<hbm>>
      %dma_start3A_42 = arith.constant 64 : i32
      %dma_start3A_43 = tpu.memref_slice %arg3[%add3A, %dma_start3A_42] : memref<32x128xi32, #tpu.memory_space<hbm>> -> memref<1x32xi32, #tpu.memory_space<hbm>>
      %dma_start3A_44 = tpu.memref_squeeze %dma_start3A_43 : memref<1x32xi32, #tpu.memory_space<hbm>> -> memref<32xi32, #tpu.memory_space<hbm>>
      tpu.enqueue_dma source(%dma_start3A_44 : memref<32xi32, #tpu.memory_space<hbm>>) target(%arg5 : memref<32xi32, #tpu.memory_space<vmem>>) target_semaphore(%run_scoped3A : memref<!tpu.dma_semaphore, #tpu.memory_space<semaphore_mem>>)
      %dma_wait3A_45 = arith.constant 64 : i32
      %dma_wait3A_46 = tpu.memref_slice %arg3[%add3A, %dma_wait3A_45] : memref<32x128xi32, #tpu.memory_space<hbm>> -> memref<1x32xi32, #tpu.memory_space<hbm>>
      %dma_wait3A_47 = tpu.memref_squeeze %dma_wait3A_46 : memref<1x32xi32, #tpu.memory_space<hbm>> -> memref<32xi32, #tpu.memory_space<hbm>>
      %dma_wait3A_48 = arith.constant 64 : i32
      %dma_wait3A_49 = tpu.memref_slice %arg3[%add3A, %dma_wait3A_48] : memref<32x128xi32, #tpu.memory_space<hbm>> -> memref<1x32xi32, #tpu.memory_space<hbm>>
      %dma_wait3A_50 = tpu.memref_squeeze %dma_wait3A_49 : memref<1x32xi32, #tpu.memory_space<hbm>> -> memref<32xi32, #tpu.memory_space<hbm>>
      tpu.wait_dma2 semaphore(%run_scoped3A : memref<!tpu.dma_semaphore, #tpu.memory_space<semaphore_mem>>) src(%dma_wait3A_50 : memref<32xi32, #tpu.memory_space<hbm>>) dst(%arg5 : memref<32xi32, #tpu.memory_space<vmem>>)
      tpu.yield
    }) : () -> ()
    %mul3A_19 = arith.constant 128 : i32
    %mul3A_20 = arith.muli %add3A, %mul3A_19 : i32
    %add3A_21 = arith.constant 64 : i32
    %add3A_22 = arith.addi %mul3A_20, %add3A_21 : i32
    "tpu.region"() ({
      %run_scoped3A = tpu.sem_alloc : memref<!tpu.dma_semaphore, #tpu.memory_space<semaphore_mem>>
      %dma_start3A_39 = arith.constant 0 : i32
      %dma_start3A_40 = tpu.memref_slice %arg2[%add3A_22, %dma_start3A_39] : memref<4096x2048xf32, #tpu.memory_space<hbm>> -> memref<32x2048xf32, #tpu.memory_space<hbm>>
      %dma_start3A_41 = arith.constant 0 : i32
      %dma_start3A_42 = tpu.memref_slice %arg2[%add3A_22, %dma_start3A_41] : memref<4096x2048xf32, #tpu.memory_space<hbm>> -> memref<32x2048xf32, #tpu.memory_space<hbm>>
      tpu.enqueue_dma source(%dma_start3A_42 : memref<32x2048xf32, #tpu.memory_space<hbm>>) target(%arg6 : memref<32x2048xf32, #tpu.memory_space<vmem>>) target_semaphore(%run_scoped3A : memref<!tpu.dma_semaphore, #tpu.memory_space<semaphore_mem>>)
      %dma_wait3A_43 = arith.constant 0 : i32
      %dma_wait3A_44 = tpu.memref_slice %arg2[%add3A_22, %dma_wait3A_43] : memref<4096x2048xf32, #tpu.memory_space<hbm>> -> memref<32x2048xf32, #tpu.memory_space<hbm>>
      %dma_wait3A_45 = arith.constant 0 : i32
      %dma_wait3A_46 = tpu.memref_slice %arg2[%add3A_22, %dma_wait3A_45] : memref<4096x2048xf32, #tpu.memory_space<hbm>> -> memref<32x2048xf32, #tpu.memory_space<hbm>>
      tpu.wait_dma2 semaphore(%run_scoped3A : memref<!tpu.dma_semaphore, #tpu.memory_space<semaphore_mem>>) src(%dma_wait3A_46 : memref<32x2048xf32, #tpu.memory_space<hbm>>) dst(%arg6 : memref<32x2048xf32, #tpu.memory_space<vmem>>)
      tpu.yield
    }) : () -> ()
    %dma_start3A_23 = arith.constant 0 : i32
    %dma_start3A_24 = arith.constant 0 : i32
    %dma_start3A_25 = tpu.memref_slice %arg4[%dma_start3A_23, %dma_start3A_24] : memref<5888x2048xf32, #tpu.memory_space<hbm>> -> memref<5888x2048xf32, #tpu.memory_space<hbm>>
    tpu.enqueue_indirect_dma source(%arg6 : memref<32x2048xf32, #tpu.memory_space<vmem>>) target(%dma_start3A_25 : memref<5888x2048xf32, #tpu.memory_space<hbm>>) offsets(%arg5 : memref<32xi32, #tpu.memory_space<vmem>>) semaphore(%arg7 : memref<!tpu.dma_semaphore, #tpu.memory_space<semaphore_mem>>)
    %dma_wait3A_26 = arith.constant 0 : i32
    %dma_wait3A_27 = arith.constant 0 : i32
    %dma_wait3A_28 = tpu.memref_slice %arg4[%dma_wait3A_26, %dma_wait3A_27] : memref<5888x2048xf32, #tpu.memory_space<hbm>> -> memref<5888x2048xf32, #tpu.memory_space<hbm>>
    tpu.wait_indirect_dma semaphore(%arg7 : memref<!tpu.dma_semaphore, #tpu.memory_space<semaphore_mem>>) src(%arg6 : memref<32x2048xf32, #tpu.memory_space<vmem>>) dst(%dma_wait3A_28 : memref<5888x2048xf32, #tpu.memory_space<hbm>>)
    "tpu.region"() ({
      %run_scoped3A = tpu.sem_alloc : memref<!tpu.dma_semaphore, #tpu.memory_space<semaphore_mem>>
      %dma_start3A_39 = arith.constant 96 : i32
      %dma_start3A_40 = tpu.memref_slice %arg3[%add3A, %dma_start3A_39] : memref<32x128xi32, #tpu.memory_space<hbm>> -> memref<1x32xi32, #tpu.memory_space<hbm>>
      %dma_start3A_41 = tpu.memref_squeeze %dma_start3A_40 : memref<1x32xi32, #tpu.memory_space<hbm>> -> memref<32xi32, #tpu.memory_space<hbm>>
      %dma_start3A_42 = arith.constant 96 : i32
      %dma_start3A_43 = tpu.memref_slice %arg3[%add3A, %dma_start3A_42] : memref<32x128xi32, #tpu.memory_space<hbm>> -> memref<1x32xi32, #tpu.memory_space<hbm>>
      %dma_start3A_44 = tpu.memref_squeeze %dma_start3A_43 : memref<1x32xi32, #tpu.memory_space<hbm>> -> memref<32xi32, #tpu.memory_space<hbm>>
      tpu.enqueue_dma source(%dma_start3A_44 : memref<32xi32, #tpu.memory_space<hbm>>) target(%arg5 : memref<32xi32, #tpu.memory_space<vmem>>) target_semaphore(%run_scoped3A : memref<!tpu.dma_semaphore, #tpu.memory_space<semaphore_mem>>)
      %dma_wait3A_45 = arith.constant 96 : i32
      %dma_wait3A_46 = tpu.memref_slice %arg3[%add3A, %dma_wait3A_45] : memref<32x128xi32, #tpu.memory_space<hbm>> -> memref<1x32xi32, #tpu.memory_space<hbm>>
      %dma_wait3A_47 = tpu.memref_squeeze %dma_wait3A_46 : memref<1x32xi32, #tpu.memory_space<hbm>> -> memref<32xi32, #tpu.memory_space<hbm>>
      %dma_wait3A_48 = arith.constant 96 : i32
      %dma_wait3A_49 = tpu.memref_slice %arg3[%add3A, %dma_wait3A_48] : memref<32x128xi32, #tpu.memory_space<hbm>> -> memref<1x32xi32, #tpu.memory_space<hbm>>
      %dma_wait3A_50 = tpu.memref_squeeze %dma_wait3A_49 : memref<1x32xi32, #tpu.memory_space<hbm>> -> memref<32xi32, #tpu.memory_space<hbm>>
      tpu.wait_dma2 semaphore(%run_scoped3A : memref<!tpu.dma_semaphore, #tpu.memory_space<semaphore_mem>>) src(%dma_wait3A_50 : memref<32xi32, #tpu.memory_space<hbm>>) dst(%arg5 : memref<32xi32, #tpu.memory_space<vmem>>)
      tpu.yield
    }) : () -> ()
    %mul3A_29 = arith.constant 128 : i32
    %mul3A_30 = arith.muli %add3A, %mul3A_29 : i32
    %add3A_31 = arith.constant 96 : i32
    %add3A_32 = arith.addi %mul3A_30, %add3A_31 : i32
    "tpu.region"() ({
      %run_scoped3A = tpu.sem_alloc : memref<!tpu.dma_semaphore, #tpu.memory_space<semaphore_mem>>
      %dma_start3A_39 = arith.constant 0 : i32
      %dma_start3A_40 = tpu.memref_slice %arg2[%add3A_32, %dma_start3A_39] : memref<4096x2048xf32, #tpu.memory_space<hbm>> -> memref<32x2048xf32, #tpu.memory_space<hbm>>
      %dma_start3A_41 = arith.constant 0 : i32
      %dma_start3A_42 = tpu.memref_slice %arg2[%add3A_32, %dma_start3A_41] : memref<4096x2048xf32, #tpu.memory_space<hbm>> -> memref<32x2048xf32, #tpu.memory_space<hbm>>
      tpu.enqueue_dma source(%dma_start3A_42 : memref<32x2048xf32, #tpu.memory_space<hbm>>) target(%arg6 : memref<32x2048xf32, #tpu.memory_space<vmem>>) target_semaphore(%run_scoped3A : memref<!tpu.dma_semaphore, #tpu.memory_space<semaphore_mem>>)
      %dma_wait3A_43 = arith.constant 0 : i32
      %dma_wait3A_44 = tpu.memref_slice %arg2[%add3A_32, %dma_wait3A_43] : memref<4096x2048xf32, #tpu.memory_space<hbm>> -> memref<32x2048xf32, #tpu.memory_space<hbm>>
      %dma_wait3A_45 = arith.constant 0 : i32
      %dma_wait3A_46 = tpu.memref_slice %arg2[%add3A_32, %dma_wait3A_45] : memref<4096x2048xf32, #tpu.memory_space<hbm>> -> memref<32x2048xf32, #tpu.memory_space<hbm>>
      tpu.wait_dma2 semaphore(%run_scoped3A : memref<!tpu.dma_semaphore, #tpu.memory_space<semaphore_mem>>) src(%dma_wait3A_46 : memref<32x2048xf32, #tpu.memory_space<hbm>>) dst(%arg6 : memref<32x2048xf32, #tpu.memory_space<vmem>>)
      tpu.yield
    }) : () -> ()
    %dma_start3A_33 = arith.constant 0 : i32
    %dma_start3A_34 = arith.constant 0 : i32
    %dma_start3A_35 = tpu.memref_slice %arg4[%dma_start3A_33, %dma_start3A_34] : memref<5888x2048xf32, #tpu.memory_space<hbm>> -> memref<5888x2048xf32, #tpu.memory_space<hbm>>
    tpu.enqueue_indirect_dma source(%arg6 : memref<32x2048xf32, #tpu.memory_space<vmem>>) target(%dma_start3A_35 : memref<5888x2048xf32, #tpu.memory_space<hbm>>) offsets(%arg5 : memref<32xi32, #tpu.memory_space<vmem>>) semaphore(%arg7 : memref<!tpu.dma_semaphore, #tpu.memory_space<semaphore_mem>>)
    %dma_wait3A_36 = arith.constant 0 : i32
    %dma_wait3A_37 = arith.constant 0 : i32
    %dma_wait3A_38 = tpu.memref_slice %arg4[%dma_wait3A_36, %dma_wait3A_37] : memref<5888x2048xf32, #tpu.memory_space<hbm>> -> memref<5888x2048xf32, #tpu.memory_space<hbm>>
    tpu.wait_indirect_dma semaphore(%arg7 : memref<!tpu.dma_semaphore, #tpu.memory_space<semaphore_mem>>) src(%arg6 : memref<32x2048xf32, #tpu.memory_space<vmem>>) dst(%dma_wait3A_38 : memref<5888x2048xf32, #tpu.memory_space<hbm>>)
    return
  }
}

#map = affine_map<(d0, d1) -> (0, 0)>
module attributes {stable_mosaic.version = 14 : i64} {
  func.func @_gather_body(%arg0: i32, %arg1: i32, %arg2: memref<5888x1024xf32, #tpu.memory_space<hbm>>, %arg3: memref<32x128xi32, #tpu.memory_space<hbm>>, %arg4: memref<4096x1024xf32, #tpu.memory_space<hbm>>, %arg5: memref<64xi32, #tpu.memory_space<vmem>>, %arg6: memref<64x1024xf32, #tpu.memory_space<vmem>>, %arg7: memref<!tpu.dma_semaphore, #tpu.memory_space<semaphore_mem>>) attributes {dimension_semantics = [#tpu.dimension_semantics<core_parallel>, #tpu.dimension_semantics<subcore_parallel>], iteration_bounds = array<i64: 2, 16>, scalar_prefetch = 0 : i64, scratch_operands = 3 : i64, tpu.core_type = #tpu.core_type<sc_vector_subcore>, window_params = [{transform_indices = #map}, {transform_indices = #map}, {transform_indices = #map}]} {
    %mul3A = arith.constant 16 : i32
    %mul3A_0 = arith.muli %arg0, %mul3A : i32
    %add3A = arith.addi %mul3A_0, %arg1 : i32
    "tpu.region"() ({
      %run_scoped3A = tpu.sem_alloc : memref<!tpu.dma_semaphore, #tpu.memory_space<semaphore_mem>>
      %dma_start3A_19 = arith.constant 0 : i32
      %dma_start3A_20 = tpu.memref_slice %arg3[%add3A, %dma_start3A_19] : memref<32x128xi32, #tpu.memory_space<hbm>> -> memref<1x64xi32, #tpu.memory_space<hbm>>
      %dma_start3A_21 = tpu.memref_squeeze %dma_start3A_20 : memref<1x64xi32, #tpu.memory_space<hbm>> -> memref<64xi32, #tpu.memory_space<hbm>>
      %dma_start3A_22 = arith.constant 0 : i32
      %dma_start3A_23 = tpu.memref_slice %arg3[%add3A, %dma_start3A_22] : memref<32x128xi32, #tpu.memory_space<hbm>> -> memref<1x64xi32, #tpu.memory_space<hbm>>
      %dma_start3A_24 = tpu.memref_squeeze %dma_start3A_23 : memref<1x64xi32, #tpu.memory_space<hbm>> -> memref<64xi32, #tpu.memory_space<hbm>>
      tpu.enqueue_dma source(%dma_start3A_24 : memref<64xi32, #tpu.memory_space<hbm>>) target(%arg5 : memref<64xi32, #tpu.memory_space<vmem>>) target_semaphore(%run_scoped3A : memref<!tpu.dma_semaphore, #tpu.memory_space<semaphore_mem>>)
      %dma_wait3A_25 = arith.constant 0 : i32
      %dma_wait3A_26 = tpu.memref_slice %arg3[%add3A, %dma_wait3A_25] : memref<32x128xi32, #tpu.memory_space<hbm>> -> memref<1x64xi32, #tpu.memory_space<hbm>>
      %dma_wait3A_27 = tpu.memref_squeeze %dma_wait3A_26 : memref<1x64xi32, #tpu.memory_space<hbm>> -> memref<64xi32, #tpu.memory_space<hbm>>
      %dma_wait3A_28 = arith.constant 0 : i32
      %dma_wait3A_29 = tpu.memref_slice %arg3[%add3A, %dma_wait3A_28] : memref<32x128xi32, #tpu.memory_space<hbm>> -> memref<1x64xi32, #tpu.memory_space<hbm>>
      %dma_wait3A_30 = tpu.memref_squeeze %dma_wait3A_29 : memref<1x64xi32, #tpu.memory_space<hbm>> -> memref<64xi32, #tpu.memory_space<hbm>>
      tpu.wait_dma2 semaphore(%run_scoped3A : memref<!tpu.dma_semaphore, #tpu.memory_space<semaphore_mem>>) src(%dma_wait3A_30 : memref<64xi32, #tpu.memory_space<hbm>>) dst(%arg5 : memref<64xi32, #tpu.memory_space<vmem>>)
      tpu.yield
    }) : () -> ()
    %dma_start3A = arith.constant 0 : i32
    %dma_start3A_1 = arith.constant 0 : i32
    %dma_start3A_2 = tpu.memref_slice %arg2[%dma_start3A, %dma_start3A_1] : memref<5888x1024xf32, #tpu.memory_space<hbm>> -> memref<5888x1024xf32, #tpu.memory_space<hbm>>
    tpu.enqueue_indirect_dma source(%dma_start3A_2 : memref<5888x1024xf32, #tpu.memory_space<hbm>>) target(%arg6 : memref<64x1024xf32, #tpu.memory_space<vmem>>) offsets(%arg5 : memref<64xi32, #tpu.memory_space<vmem>>) semaphore(%arg7 : memref<!tpu.dma_semaphore, #tpu.memory_space<semaphore_mem>>)
    %dma_wait3A = arith.constant 0 : i32
    %dma_wait3A_3 = arith.constant 0 : i32
    %dma_wait3A_4 = tpu.memref_slice %arg2[%dma_wait3A, %dma_wait3A_3] : memref<5888x1024xf32, #tpu.memory_space<hbm>> -> memref<5888x1024xf32, #tpu.memory_space<hbm>>
    tpu.wait_indirect_dma semaphore(%arg7 : memref<!tpu.dma_semaphore, #tpu.memory_space<semaphore_mem>>) src(%dma_wait3A_4 : memref<5888x1024xf32, #tpu.memory_space<hbm>>) dst(%arg6 : memref<64x1024xf32, #tpu.memory_space<vmem>>)
    %mul3A_5 = arith.constant 128 : i32
    %mul3A_6 = arith.muli %add3A, %mul3A_5 : i32
    %add3A_7 = arith.constant 0 : i32
    %add3A_8 = arith.addi %mul3A_6, %add3A_7 : i32
    "tpu.region"() ({
      %run_scoped3A = tpu.sem_alloc : memref<!tpu.dma_semaphore, #tpu.memory_space<semaphore_mem>>
      %dma_start3A_19 = arith.constant 0 : i32
      %dma_start3A_20 = tpu.memref_slice %arg4[%add3A_8, %dma_start3A_19] : memref<4096x1024xf32, #tpu.memory_space<hbm>> -> memref<64x1024xf32, #tpu.memory_space<hbm>>
      %dma_start3A_21 = arith.constant 0 : i32
      %dma_start3A_22 = tpu.memref_slice %arg4[%add3A_8, %dma_start3A_21] : memref<4096x1024xf32, #tpu.memory_space<hbm>> -> memref<64x1024xf32, #tpu.memory_space<hbm>>
      tpu.enqueue_dma source(%arg6 : memref<64x1024xf32, #tpu.memory_space<vmem>>) target(%dma_start3A_22 : memref<64x1024xf32, #tpu.memory_space<hbm>>) target_semaphore(%run_scoped3A : memref<!tpu.dma_semaphore, #tpu.memory_space<semaphore_mem>>)
      %dma_wait3A_23 = arith.constant 0 : i32
      %dma_wait3A_24 = tpu.memref_slice %arg4[%add3A_8, %dma_wait3A_23] : memref<4096x1024xf32, #tpu.memory_space<hbm>> -> memref<64x1024xf32, #tpu.memory_space<hbm>>
      %dma_wait3A_25 = arith.constant 0 : i32
      %dma_wait3A_26 = tpu.memref_slice %arg4[%add3A_8, %dma_wait3A_25] : memref<4096x1024xf32, #tpu.memory_space<hbm>> -> memref<64x1024xf32, #tpu.memory_space<hbm>>
      tpu.wait_dma2 semaphore(%run_scoped3A : memref<!tpu.dma_semaphore, #tpu.memory_space<semaphore_mem>>) src(%arg6 : memref<64x1024xf32, #tpu.memory_space<vmem>>) dst(%dma_wait3A_26 : memref<64x1024xf32, #tpu.memory_space<hbm>>)
      tpu.yield
    }) : () -> ()
    "tpu.region"() ({
      %run_scoped3A = tpu.sem_alloc : memref<!tpu.dma_semaphore, #tpu.memory_space<semaphore_mem>>
      %dma_start3A_19 = arith.constant 64 : i32
      %dma_start3A_20 = tpu.memref_slice %arg3[%add3A, %dma_start3A_19] : memref<32x128xi32, #tpu.memory_space<hbm>> -> memref<1x64xi32, #tpu.memory_space<hbm>>
      %dma_start3A_21 = tpu.memref_squeeze %dma_start3A_20 : memref<1x64xi32, #tpu.memory_space<hbm>> -> memref<64xi32, #tpu.memory_space<hbm>>
      %dma_start3A_22 = arith.constant 64 : i32
      %dma_start3A_23 = tpu.memref_slice %arg3[%add3A, %dma_start3A_22] : memref<32x128xi32, #tpu.memory_space<hbm>> -> memref<1x64xi32, #tpu.memory_space<hbm>>
      %dma_start3A_24 = tpu.memref_squeeze %dma_start3A_23 : memref<1x64xi32, #tpu.memory_space<hbm>> -> memref<64xi32, #tpu.memory_space<hbm>>
      tpu.enqueue_dma source(%dma_start3A_24 : memref<64xi32, #tpu.memory_space<hbm>>) target(%arg5 : memref<64xi32, #tpu.memory_space<vmem>>) target_semaphore(%run_scoped3A : memref<!tpu.dma_semaphore, #tpu.memory_space<semaphore_mem>>)
      %dma_wait3A_25 = arith.constant 64 : i32
      %dma_wait3A_26 = tpu.memref_slice %arg3[%add3A, %dma_wait3A_25] : memref<32x128xi32, #tpu.memory_space<hbm>> -> memref<1x64xi32, #tpu.memory_space<hbm>>
      %dma_wait3A_27 = tpu.memref_squeeze %dma_wait3A_26 : memref<1x64xi32, #tpu.memory_space<hbm>> -> memref<64xi32, #tpu.memory_space<hbm>>
      %dma_wait3A_28 = arith.constant 64 : i32
      %dma_wait3A_29 = tpu.memref_slice %arg3[%add3A, %dma_wait3A_28] : memref<32x128xi32, #tpu.memory_space<hbm>> -> memref<1x64xi32, #tpu.memory_space<hbm>>
      %dma_wait3A_30 = tpu.memref_squeeze %dma_wait3A_29 : memref<1x64xi32, #tpu.memory_space<hbm>> -> memref<64xi32, #tpu.memory_space<hbm>>
      tpu.wait_dma2 semaphore(%run_scoped3A : memref<!tpu.dma_semaphore, #tpu.memory_space<semaphore_mem>>) src(%dma_wait3A_30 : memref<64xi32, #tpu.memory_space<hbm>>) dst(%arg5 : memref<64xi32, #tpu.memory_space<vmem>>)
      tpu.yield
    }) : () -> ()
    %dma_start3A_9 = arith.constant 0 : i32
    %dma_start3A_10 = arith.constant 0 : i32
    %dma_start3A_11 = tpu.memref_slice %arg2[%dma_start3A_9, %dma_start3A_10] : memref<5888x1024xf32, #tpu.memory_space<hbm>> -> memref<5888x1024xf32, #tpu.memory_space<hbm>>
    tpu.enqueue_indirect_dma source(%dma_start3A_11 : memref<5888x1024xf32, #tpu.memory_space<hbm>>) target(%arg6 : memref<64x1024xf32, #tpu.memory_space<vmem>>) offsets(%arg5 : memref<64xi32, #tpu.memory_space<vmem>>) semaphore(%arg7 : memref<!tpu.dma_semaphore, #tpu.memory_space<semaphore_mem>>)
    %dma_wait3A_12 = arith.constant 0 : i32
    %dma_wait3A_13 = arith.constant 0 : i32
    %dma_wait3A_14 = tpu.memref_slice %arg2[%dma_wait3A_12, %dma_wait3A_13] : memref<5888x1024xf32, #tpu.memory_space<hbm>> -> memref<5888x1024xf32, #tpu.memory_space<hbm>>
    tpu.wait_indirect_dma semaphore(%arg7 : memref<!tpu.dma_semaphore, #tpu.memory_space<semaphore_mem>>) src(%dma_wait3A_14 : memref<5888x1024xf32, #tpu.memory_space<hbm>>) dst(%arg6 : memref<64x1024xf32, #tpu.memory_space<vmem>>)
    %mul3A_15 = arith.constant 128 : i32
    %mul3A_16 = arith.muli %add3A, %mul3A_15 : i32
    %add3A_17 = arith.constant 64 : i32
    %add3A_18 = arith.addi %mul3A_16, %add3A_17 : i32
    "tpu.region"() ({
      %run_scoped3A = tpu.sem_alloc : memref<!tpu.dma_semaphore, #tpu.memory_space<semaphore_mem>>
      %dma_start3A_19 = arith.constant 0 : i32
      %dma_start3A_20 = tpu.memref_slice %arg4[%add3A_18, %dma_start3A_19] : memref<4096x1024xf32, #tpu.memory_space<hbm>> -> memref<64x1024xf32, #tpu.memory_space<hbm>>
      %dma_start3A_21 = arith.constant 0 : i32
      %dma_start3A_22 = tpu.memref_slice %arg4[%add3A_18, %dma_start3A_21] : memref<4096x1024xf32, #tpu.memory_space<hbm>> -> memref<64x1024xf32, #tpu.memory_space<hbm>>
      tpu.enqueue_dma source(%arg6 : memref<64x1024xf32, #tpu.memory_space<vmem>>) target(%dma_start3A_22 : memref<64x1024xf32, #tpu.memory_space<hbm>>) target_semaphore(%run_scoped3A : memref<!tpu.dma_semaphore, #tpu.memory_space<semaphore_mem>>)
      %dma_wait3A_23 = arith.constant 0 : i32
      %dma_wait3A_24 = tpu.memref_slice %arg4[%add3A_18, %dma_wait3A_23] : memref<4096x1024xf32, #tpu.memory_space<hbm>> -> memref<64x1024xf32, #tpu.memory_space<hbm>>
      %dma_wait3A_25 = arith.constant 0 : i32
      %dma_wait3A_26 = tpu.memref_slice %arg4[%add3A_18, %dma_wait3A_25] : memref<4096x1024xf32, #tpu.memory_space<hbm>> -> memref<64x1024xf32, #tpu.memory_space<hbm>>
      tpu.wait_dma2 semaphore(%run_scoped3A : memref<!tpu.dma_semaphore, #tpu.memory_space<semaphore_mem>>) src(%arg6 : memref<64x1024xf32, #tpu.memory_space<vmem>>) dst(%dma_wait3A_26 : memref<64x1024xf32, #tpu.memory_space<hbm>>)
      tpu.yield
    }) : () -> ()
    return
  }
}

module attributes {stable_mosaic.version = 14 : i64} {
  func.func @_mm_body(%arg0: i32, %arg1: memref<32xi32, #tpu.memory_space<smem>>, %arg2: memref<32xi32, #tpu.memory_space<smem>>, %arg3: memref<256x2048xf32, #tpu.memory_space<vmem>>, %arg4: memref<1x1024x2048xf32, #tpu.memory_space<vmem>>, %arg5: memref<1x1x1024xf32, #tpu.memory_space<vmem>>, %arg6: memref<256x1024xf32, #tpu.memory_space<vmem>>) attributes {dimension_semantics = [#tpu.dimension_semantics<arbitrary>], iteration_bounds = array<i64: 23>, scalar_prefetch = 2 : i64, scratch_operands = 0 : i64, tpu.core_type = #tpu.core_type<tc>, window_params = [{transform_indices = @transform_0, window_bounds = array<i64: 256, 2048>}, {transform_indices = @transform_1, window_bounds = array<i64: 1, 1024, 2048>}, {transform_indices = @transform_2, window_bounds = array<i64: 1, 1, 1024>}, {transform_indices = @transform_3, window_bounds = array<i64: 256, 1024>}]} {
    %get3A = arith.index_cast %arg0 : i32 to index
    %get3A_0 = memref.load %arg2[%get3A] : memref<32xi32, #tpu.memory_space<smem>>
    %ne3A = arith.constant 0 : i32
    %ne3A_1 = arith.cmpi ne, %get3A_0, %ne3A : i32
    %convert_element_type3A = arith.extui %ne3A_1 : i1 to i32
    %cond3A = arith.constant 0 : i32
    %cond3A_2 = arith.cmpi ne, %convert_element_type3A, %cond3A : i32
    scf.if %cond3A_2 {
      %get3A_3 = arith.constant 0 : index
      %get3A_4 = arith.constant 0 : index
      %get3A_5 = vector.load %arg3[%get3A_3, %get3A_4] : memref<256x2048xf32, #tpu.memory_space<vmem>>, vector<256x2048xf32>
      %get3A_6 = arith.constant 0 : index
      %get3A_7 = arith.constant 0 : index
      %get3A_8 = arith.constant 0 : index
      %get3A_9 = vector.load %arg4[%get3A_6, %get3A_7, %get3A_8] : memref<1x1024x2048xf32, #tpu.memory_space<vmem>>, vector<1x1024x2048xf32>
      %get3A_10 = vector.shape_cast %get3A_9 : vector<1x1024x2048xf32> to vector<1024x2048xf32>
      %dot_general3A = arith.constant dense<0.000000e+00> : vector<256x1024xf32>
      %dot_general3A_11 = tpu.matmul %get3A_5, %get3A_10, %dot_general3A {dimension_numbers = #tpu.dot_dimension_numbers<[1], [1], [0], [0], [0, 0, 1, 0], [], []>, transpose_lhs_hint = false} : vector<256x2048xf32>, vector<1024x2048xf32>, vector<256x1024xf32> -> vector<256x1024xf32>
      %get3A_12 = arith.constant 0 : index
      %get3A_13 = arith.constant 0 : index
      %get3A_14 = arith.constant 0 : index
      %get3A_15 = vector.load %arg5[%get3A_12, %get3A_13, %get3A_14] : memref<1x1x1024xf32, #tpu.memory_space<vmem>>, vector<1x1x1024xf32>
      %get3A_16 = vector.shape_cast %get3A_15 : vector<1x1x1024xf32> to vector<1x1024xf32>
      %add3A = vector.broadcast %get3A_16 : vector<1x1024xf32> to vector<256x1024xf32>
      %add3A_17 = arith.addf %dot_general3A_11, %add3A : vector<256x1024xf32>
      %swap3A = arith.constant 0 : index
      %swap3A_18 = arith.constant 0 : index
      %swap3A_19 = vector.load %arg6[%swap3A, %swap3A_18] : memref<256x1024xf32, #tpu.memory_space<vmem>>, vector<256x1024xf32>
      tpu.vector_store %arg6[%swap3A, %swap3A_18], %add3A_17 {strides = array<i32>} : memref<256x1024xf32, #tpu.memory_space<vmem>>, vector<256x1024xf32>,
    } else {
    }
    return
  }
  func.func @transform_0(%arg0: i32, %arg1: memref<32xi32, #tpu.memory_space<smem>>, %arg2: memref<32xi32, #tpu.memory_space<smem>>) -> (i32, i32) {
    %c0_i32 = arith.constant 0 : i32
    %c0_i32_0 = arith.constant 0 : i32
    return %arg0, %c0_i32 : i32, i32
  }
  func.func @transform_1(%arg0: i32, %arg1: memref<32xi32, #tpu.memory_space<smem>>, %arg2: memref<32xi32, #tpu.memory_space<smem>>) -> (i32, i32, i32) {
    %get3A = arith.index_cast %arg0 : i32 to index
    %get3A_0 = memref.load %arg1[%get3A] : memref<32xi32, #tpu.memory_space<smem>>
    %c0_i32 = arith.constant 0 : i32
    %c0_i32_1 = arith.constant 0 : i32
    %c0_i32_2 = arith.constant 0 : i32
    return %get3A_0, %c0_i32, %c0_i32_1 : i32, i32, i32
  }
  func.func @transform_2(%arg0: i32, %arg1: memref<32xi32, #tpu.memory_space<smem>>, %arg2: memref<32xi32, #tpu.memory_space<smem>>) -> (i32, i32, i32) {
    %get3A = arith.index_cast %arg0 : i32 to index
    %get3A_0 = memref.load %arg1[%get3A] : memref<32xi32, #tpu.memory_space<smem>>
    %c0_i32 = arith.constant 0 : i32
    %c0_i32_1 = arith.constant 0 : i32
    %c0_i32_2 = arith.constant 0 : i32
    return %get3A_0, %c0_i32, %c0_i32_1 : i32, i32, i32
  }
  func.func @transform_3(%arg0: i32, %arg1: memref<32xi32, #tpu.memory_space<smem>>, %arg2: memref<32xi32, #tpu.memory_space<smem>>) -> (i32, i32) {
    %c0_i32 = arith.constant 0 : i32
    %c0_i32_0 = arith.constant 0 : i32
    return %arg0, %c0_i32 : i32, i32
  }
}

module attributes {stable_mosaic.version = 14 : i64} {
  func.func @_route_body(%arg0: memref<32x128xi32, #tpu.memory_space<vmem>>, %arg1: memref<32x128xi32, #tpu.memory_space<vmem>>, %arg2: memref<1x32xi32, #tpu.memory_space<vmem>>, %arg3: memref<1x32xi32, #tpu.memory_space<vmem>>) attributes {dimension_semantics = [], scalar_prefetch = 0 : i64, scratch_operands = 0 : i64, tpu.core_type = #tpu.core_type<tc>} {
    %get3A = arith.constant 0 : index
    %get3A_0 = arith.constant 0 : index
    %get3A_1 = vector.load %arg0[%get3A, %get3A_0] : memref<32x128xi32, #tpu.memory_space<vmem>>, vector<32x128xi32>
    %iota3A = tpu.iota {dimensions = array<i32: 1>} : vector<32x32xi32>
    %iota3A_2 = tpu.iota {dimensions = array<i32: 0>} : vector<32x32xi32>
    %lt3A = arith.cmpi slt, %iota3A, %iota3A_2 : vector<32x32xi32>
    %convert_element_type3A = arith.extui %lt3A : vector<32x32xi1> to vector<32x32xi32>
    %convert_element_type3A_3 = arith.sitofp %convert_element_type3A : vector<32x32xi32> to vector<32x32xf32>
    %iota3A_4 = tpu.iota {dimensions = array<i32: 0>} : vector<128x128xi32>
    %iota3A_5 = tpu.iota {dimensions = array<i32: 1>} : vector<128x128xi32>
    %lt3A_6 = arith.cmpi slt, %iota3A_4, %iota3A_5 : vector<128x128xi32>
    %convert_element_type3A_7 = arith.extui %lt3A_6 : vector<128x128xi1> to vector<128x128xi32>
    %convert_element_type3A_8 = arith.sitofp %convert_element_type3A_7 : vector<128x128xi32> to vector<128x128xf32>
    %broadcast_in_dim3A = arith.constant 0.000000e+00 : f32
    %broadcast_in_dim3A_9 = vector.broadcast %broadcast_in_dim3A : f32 to vector<32x128xf32>
    %iota3A_10 = tpu.iota {dimensions = array<i32: 1>} : vector<1x32xi32>
    %convert_element_type3A_11 = arith.sitofp %iota3A_10 : vector<1x32xi32> to vector<1x32xf32>
    %broadcast_in_dim3A_12 = arith.constant 0.000000e+00 : f32
    %broadcast_in_dim3A_13 = vector.broadcast %broadcast_in_dim3A_12 : f32 to vector<1x32xf32>
    %eq3A = arith.constant 0 : i32
    %eq3A_14 = vector.broadcast %eq3A : i32 to vector<32x128xi32>
    %eq3A_15 = arith.cmpi eq, %get3A_1, %eq3A_14 : vector<32x128xi32>
    %convert_element_type3A_16 = arith.extui %eq3A_15 : vector<32x128xi1> to vector<32x128xi32>
    %convert_element_type3A_17 = arith.sitofp %convert_element_type3A_16 : vector<32x128xi32> to vector<32x128xf32>
    %reduce_sum3A = arith.constant dense<0.000000e+00> : vector<128xf32>
    %reduce_sum3A_18 = vector.multi_reduction <add>, %convert_element_type3A_17, %reduce_sum3A [0] : vector<32x128xf32> to vector<128xf32>
    %broadcast_in_dim3A_19 = vector.shape_cast %reduce_sum3A_18 : vector<128xf32> to vector<1x128xf32>
    %reduce_sum3A_20 = vector.shape_cast %broadcast_in_dim3A_19 : vector<1x128xf32> to vector<1x1x128xf32>
    %reduce_sum3A_21 = arith.constant dense<0.000000e+00> : vector<1xf32>
    %reduce_sum3A_22 = vector.multi_reduction <add>, %reduce_sum3A_20, %reduce_sum3A_21 [1, 2] : vector<1x1x128xf32> to vector<1xf32>
    %reduce_sum3A_23 = vector.shape_cast %reduce_sum3A_22 : vector<1xf32> to vector<1x1x1xf32>
    %reduce_sum3A_24 = vector.extract %reduce_sum3A_23[0, 0, 0] : f32 from vector<1x1x1xf32>
    %div3A = arith.constant 2.560000e+02 : f32
    %div3A_25 = arith.divf %reduce_sum3A_24, %div3A : f32
    %ceil3A = math.ceil %div3A_25 : f32
    %mul3A = arith.constant 2.560000e+02 : f32
    %mul3A_26 = arith.mulf %ceil3A, %mul3A : f32
    %dot_general3A = arith.constant dense<0.000000e+00> : vector<1x128xf32>
    %dot_general3A_27 = tpu.matmul %broadcast_in_dim3A_19, %convert_element_type3A_8, %dot_general3A {dimension_numbers = #tpu.dot_dimension_numbers<[1], [0], [0], [1], [0, 0, 1, 1], [], []>, transpose_lhs_hint = false} : vector<1x128xf32>, vector<128x128xf32>, vector<1x128xf32> -> vector<1x128xf32>
    %dot_general3A_28 = arith.constant dense<0.000000e+00> : vector<32x128xf32>
    %dot_general3A_29 = tpu.matmul %convert_element_type3A_3, %convert_element_type3A_17, %dot_general3A_28 {dimension_numbers = #tpu.dot_dimension_numbers<[1], [0], [0], [1], [0, 0, 1, 1], [], []>, transpose_lhs_hint = false} : vector<32x32xf32>, vector<32x128xf32>, vector<32x128xf32> -> vector<32x128xf32>
    %add3A = arith.constant 0.000000e+00 : f32
    %add3A_30 = vector.broadcast %add3A : f32 to vector<1x128xf32>
    %add3A_31 = arith.addf %add3A_30, %dot_general3A_27 : vector<1x128xf32>
    %add3A_32 = vector.broadcast %add3A_31 : vector<1x128xf32> to vector<32x128xf32>
    %add3A_33 = arith.addf %add3A_32, %dot_general3A_29 : vector<32x128xf32>
    %mul3A_34 = arith.mulf %convert_element_type3A_17, %add3A_33 : vector<32x128xf32>
    %add3A_35 = arith.addf %broadcast_in_dim3A_9, %mul3A_34 : vector<32x128xf32>
    %add3A_36 = arith.constant 0.000000e+00 : f32
    %add3A_37 = arith.addf %add3A_36, %mul3A_26 : f32
    %div3A_38 = arith.constant 2.560000e+02 : f32
    %div3A_39 = arith.divf %add3A_37, %div3A_38 : f32
    %ge3A = vector.broadcast %div3A_39 : f32 to vector<1x32xf32>
    %ge3A_40 = arith.cmpf oge, %convert_element_type3A_11, %ge3A : vector<1x32xf32>
    %convert_element_type3A_41 = arith.extui %ge3A_40 : vector<1x32xi1> to vector<1x32xi32>
    %convert_element_type3A_42 = arith.sitofp %convert_element_type3A_41 : vector<1x32xi32> to vector<1x32xf32>
    %add3A_43 = arith.addf %broadcast_in_dim3A_13, %convert_element_type3A_42 : vector<1x32xf32>
    %add3A_44 = arith.constant 0.000000e+00 : f32
    %add3A_45 = arith.addf %add3A_44, %mul3A_26 : f32
    %eq3A_46 = arith.constant 1 : i32
    %eq3A_47 = vector.broadcast %eq3A_46 : i32 to vector<32x128xi32>
    %eq3A_48 = arith.cmpi eq, %get3A_1, %eq3A_47 : vector<32x128xi32>
    %convert_element_type3A_49 = arith.extui %eq3A_48 : vector<32x128xi1> to vector<32x128xi32>
    %convert_element_type3A_50 = arith.sitofp %convert_element_type3A_49 : vector<32x128xi32> to vector<32x128xf32>
    %reduce_sum3A_51 = arith.constant dense<0.000000e+00> : vector<128xf32>
    %reduce_sum3A_52 = vector.multi_reduction <add>, %convert_element_type3A_50, %reduce_sum3A_51 [0] : vector<32x128xf32> to vector<128xf32>
    %broadcast_in_dim3A_53 = vector.shape_cast %reduce_sum3A_52 : vector<128xf32> to vector<1x128xf32>
    %reduce_sum3A_54 = vector.shape_cast %broadcast_in_dim3A_53 : vector<1x128xf32> to vector<1x1x128xf32>
    %reduce_sum3A_55 = arith.constant dense<0.000000e+00> : vector<1xf32>
    %reduce_sum3A_56 = vector.multi_reduction <add>, %reduce_sum3A_54, %reduce_sum3A_55 [1, 2] : vector<1x1x128xf32> to vector<1xf32>
    %reduce_sum3A_57 = vector.shape_cast %reduce_sum3A_56 : vector<1xf32> to vector<1x1x1xf32>
    %reduce_sum3A_58 = vector.extract %reduce_sum3A_57[0, 0, 0] : f32 from vector<1x1x1xf32>
    %div3A_59 = arith.constant 2.560000e+02 : f32
    %div3A_60 = arith.divf %reduce_sum3A_58, %div3A_59 : f32
    %ceil3A_61 = math.ceil %div3A_60 : f32
    %mul3A_62 = arith.constant 2.560000e+02 : f32
    %mul3A_63 = arith.mulf %ceil3A_61, %mul3A_62 : f32
    %dot_general3A_64 = arith.constant dense<0.000000e+00> : vector<1x128xf32>
    %dot_general3A_65 = tpu.matmul %broadcast_in_dim3A_53, %convert_element_type3A_8, %dot_general3A_64 {dimension_numbers = #tpu.dot_dimension_numbers<[1], [0], [0], [1], [0, 0, 1, 1], [], []>, transpose_lhs_hint = false} : vector<1x128xf32>, vector<128x128xf32>, vector<1x128xf32> -> vector<1x128xf32>
    %dot_general3A_66 = arith.constant dense<0.000000e+00> : vector<32x128xf32>
    %dot_general3A_67 = tpu.matmul %convert_element_type3A_3, %convert_element_type3A_50, %dot_general3A_66 {dimension_numbers = #tpu.dot_dimension_numbers<[1], [0], [0], [1], [0, 0, 1, 1], [], []>, transpose_lhs_hint = false} : vector<32x32xf32>, vector<32x128xf32>, vector<32x128xf32> -> vector<32x128xf32>
    %add3A_68 = vector.broadcast %add3A_45 : f32 to vector<1x128xf32>
    %add3A_69 = arith.addf %add3A_68, %dot_general3A_65 : vector<1x128xf32>
    %add3A_70 = vector.broadcast %add3A_69 : vector<1x128xf32> to vector<32x128xf32>
    %add3A_71 = arith.addf %add3A_70, %dot_general3A_67 : vector<32x128xf32>
    %mul3A_72 = arith.mulf %convert_element_type3A_50, %add3A_71 : vector<32x128xf32>
    %add3A_73 = arith.addf %add3A_35, %mul3A_72 : vector<32x128xf32>
    %add3A_74 = arith.addf %add3A_45, %mul3A_63 : f32
    %div3A_75 = arith.constant 2.560000e+02 : f32
    %div3A_76 = arith.divf %add3A_74, %div3A_75 : f32
    %ge3A_77 = vector.broadcast %div3A_76 : f32 to vector<1x32xf32>
    %ge3A_78 = arith.cmpf oge, %convert_element_type3A_11, %ge3A_77 : vector<1x32xf32>
    %convert_element_type3A_79 = arith.extui %ge3A_78 : vector<1x32xi1> to vector<1x32xi32>
    %convert_element_type3A_80 = arith.sitofp %convert_element_type3A_79 : vector<1x32xi32> to vector<1x32xf32>
    %add3A_81 = arith.addf %add3A_43, %convert_element_type3A_80 : vector<1x32xf32>
    %add3A_82 = arith.addf %add3A_45, %mul3A_63 : f32
    %eq3A_83 = arith.constant 2 : i32
    %eq3A_84 = vector.broadcast %eq3A_83 : i32 to vector<32x128xi32>
    %eq3A_85 = arith.cmpi eq, %get3A_1, %eq3A_84 : vector<32x128xi32>
    %convert_element_type3A_86 = arith.extui %eq3A_85 : vector<32x128xi1> to vector<32x128xi32>
    %convert_element_type3A_87 = arith.sitofp %convert_element_type3A_86 : vector<32x128xi32> to vector<32x128xf32>
    %reduce_sum3A_88 = arith.constant dense<0.000000e+00> : vector<128xf32>
    %reduce_sum3A_89 = vector.multi_reduction <add>, %convert_element_type3A_87, %reduce_sum3A_88 [0] : vector<32x128xf32> to vector<128xf32>
    %broadcast_in_dim3A_90 = vector.shape_cast %reduce_sum3A_89 : vector<128xf32> to vector<1x128xf32>
    %reduce_sum3A_91 = vector.shape_cast %broadcast_in_dim3A_90 : vector<1x128xf32> to vector<1x1x128xf32>
    %reduce_sum3A_92 = arith.constant dense<0.000000e+00> : vector<1xf32>
    %reduce_sum3A_93 = vector.multi_reduction <add>, %reduce_sum3A_91, %reduce_sum3A_92 [1, 2] : vector<1x1x128xf32> to vector<1xf32>
    %reduce_sum3A_94 = vector.shape_cast %reduce_sum3A_93 : vector<1xf32> to vector<1x1x1xf32>
    %reduce_sum3A_95 = vector.extract %reduce_sum3A_94[0, 0, 0] : f32 from vector<1x1x1xf32>
    %div3A_96 = arith.constant 2.560000e+02 : f32
    %div3A_97 = arith.divf %reduce_sum3A_95, %div3A_96 : f32
    %ceil3A_98 = math.ceil %div3A_97 : f32
    %mul3A_99 = arith.constant 2.560000e+02 : f32
    %mul3A_100 = arith.mulf %ceil3A_98, %mul3A_99 : f32
    %dot_general3A_101 = arith.constant dense<0.000000e+00> : vector<1x128xf32>
    %dot_general3A_102 = tpu.matmul %broadcast_in_dim3A_90, %convert_element_type3A_8, %dot_general3A_101 {dimension_numbers = #tpu.dot_dimension_numbers<[1], [0], [0], [1], [0, 0, 1, 1], [], []>, transpose_lhs_hint = false} : vector<1x128xf32>, vector<128x128xf32>, vector<1x128xf32> -> vector<1x128xf32>
    %dot_general3A_103 = arith.constant dense<0.000000e+00> : vector<32x128xf32>
    %dot_general3A_104 = tpu.matmul %convert_element_type3A_3, %convert_element_type3A_87, %dot_general3A_103 {dimension_numbers = #tpu.dot_dimension_numbers<[1], [0], [0], [1], [0, 0, 1, 1], [], []>, transpose_lhs_hint = false} : vector<32x32xf32>, vector<32x128xf32>, vector<32x128xf32> -> vector<32x128xf32>
    %add3A_105 = vector.broadcast %add3A_82 : f32 to vector<1x128xf32>
    %add3A_106 = arith.addf %add3A_105, %dot_general3A_102 : vector<1x128xf32>
    %add3A_107 = vector.broadcast %add3A_106 : vector<1x128xf32> to vector<32x128xf32>
    %add3A_108 = arith.addf %add3A_107, %dot_general3A_104 : vector<32x128xf32>
    %mul3A_109 = arith.mulf %convert_element_type3A_87, %add3A_108 : vector<32x128xf32>
    %add3A_110 = arith.addf %add3A_73, %mul3A_109 : vector<32x128xf32>
    %add3A_111 = arith.addf %add3A_82, %mul3A_100 : f32
    %div3A_112 = arith.constant 2.560000e+02 : f32
    %div3A_113 = arith.divf %add3A_111, %div3A_112 : f32
    %ge3A_114 = vector.broadcast %div3A_113 : f32 to vector<1x32xf32>
    %ge3A_115 = arith.cmpf oge, %convert_element_type3A_11, %ge3A_114 : vector<1x32xf32>
    %convert_element_type3A_116 = arith.extui %ge3A_115 : vector<1x32xi1> to vector<1x32xi32>
    %convert_element_type3A_117 = arith.sitofp %convert_element_type3A_116 : vector<1x32xi32> to vector<1x32xf32>
    %add3A_118 = arith.addf %add3A_81, %convert_element_type3A_117 : vector<1x32xf32>
    %add3A_119 = arith.addf %add3A_82, %mul3A_100 : f32
    %eq3A_120 = arith.constant 3 : i32
    %eq3A_121 = vector.broadcast %eq3A_120 : i32 to vector<32x128xi32>
    %eq3A_122 = arith.cmpi eq, %get3A_1, %eq3A_121 : vector<32x128xi32>
    %convert_element_type3A_123 = arith.extui %eq3A_122 : vector<32x128xi1> to vector<32x128xi32>
    %convert_element_type3A_124 = arith.sitofp %convert_element_type3A_123 : vector<32x128xi32> to vector<32x128xf32>
    %reduce_sum3A_125 = arith.constant dense<0.000000e+00> : vector<128xf32>
    %reduce_sum3A_126 = vector.multi_reduction <add>, %convert_element_type3A_124, %reduce_sum3A_125 [0] : vector<32x128xf32> to vector<128xf32>
    %broadcast_in_dim3A_127 = vector.shape_cast %reduce_sum3A_126 : vector<128xf32> to vector<1x128xf32>
    %reduce_sum3A_128 = vector.shape_cast %broadcast_in_dim3A_127 : vector<1x128xf32> to vector<1x1x128xf32>
    %reduce_sum3A_129 = arith.constant dense<0.000000e+00> : vector<1xf32>
    %reduce_sum3A_130 = vector.multi_reduction <add>, %reduce_sum3A_128, %reduce_sum3A_129 [1, 2] : vector<1x1x128xf32> to vector<1xf32>
    %reduce_sum3A_131 = vector.shape_cast %reduce_sum3A_130 : vector<1xf32> to vector<1x1x1xf32>
    %reduce_sum3A_132 = vector.extract %reduce_sum3A_131[0, 0, 0] : f32 from vector<1x1x1xf32>
    %div3A_133 = arith.constant 2.560000e+02 : f32
    %div3A_134 = arith.divf %reduce_sum3A_132, %div3A_133 : f32
    %ceil3A_135 = math.ceil %div3A_134 : f32
    %mul3A_136 = arith.constant 2.560000e+02 : f32
    %mul3A_137 = arith.mulf %ceil3A_135, %mul3A_136 : f32
    %dot_general3A_138 = arith.constant dense<0.000000e+00> : vector<1x128xf32>
    %dot_general3A_139 = tpu.matmul %broadcast_in_dim3A_127, %convert_element_type3A_8, %dot_general3A_138 {dimension_numbers = #tpu.dot_dimension_numbers<[1], [0], [0], [1], [0, 0, 1, 1], [], []>, transpose_lhs_hint = false} : vector<1x128xf32>, vector<128x128xf32>, vector<1x128xf32> -> vector<1x128xf32>
    %dot_general3A_140 = arith.constant dense<0.000000e+00> : vector<32x128xf32>
    %dot_general3A_141 = tpu.matmul %convert_element_type3A_3, %convert_element_type3A_124, %dot_general3A_140 {dimension_numbers = #tpu.dot_dimension_numbers<[1], [0], [0], [1], [0, 0, 1, 1], [], []>, transpose_lhs_hint = false} : vector<32x32xf32>, vector<32x128xf32>, vector<32x128xf32> -> vector<32x128xf32>
    %add3A_142 = vector.broadcast %add3A_119 : f32 to vector<1x128xf32>
    %add3A_143 = arith.addf %add3A_142, %dot_general3A_139 : vector<1x128xf32>
    %add3A_144 = vector.broadcast %add3A_143 : vector<1x128xf32> to vector<32x128xf32>
    %add3A_145 = arith.addf %add3A_144, %dot_general3A_141 : vector<32x128xf32>
    %mul3A_146 = arith.mulf %convert_element_type3A_124, %add3A_145 : vector<32x128xf32>
    %add3A_147 = arith.addf %add3A_110, %mul3A_146 : vector<32x128xf32>
    %add3A_148 = arith.addf %add3A_119, %mul3A_137 : f32
    %div3A_149 = arith.constant 2.560000e+02 : f32
    %div3A_150 = arith.divf %add3A_148, %div3A_149 : f32
    %ge3A_151 = vector.broadcast %div3A_150 : f32 to vector<1x32xf32>
    %ge3A_152 = arith.cmpf oge, %convert_element_type3A_11, %ge3A_151 : vector<1x32xf32>
    %convert_element_type3A_153 = arith.extui %ge3A_152 : vector<1x32xi1> to vector<1x32xi32>
    %convert_element_type3A_154 = arith.sitofp %convert_element_type3A_153 : vector<1x32xi32> to vector<1x32xf32>
    %add3A_155 = arith.addf %add3A_118, %convert_element_type3A_154 : vector<1x32xf32>
    %add3A_156 = arith.addf %add3A_119, %mul3A_137 : f32
    %eq3A_157 = arith.constant 4 : i32
    %eq3A_158 = vector.broadcast %eq3A_157 : i32 to vector<32x128xi32>
    %eq3A_159 = arith.cmpi eq, %get3A_1, %eq3A_158 : vector<32x128xi32>
    %convert_element_type3A_160 = arith.extui %eq3A_159 : vector<32x128xi1> to vector<32x128xi32>
    %convert_element_type3A_161 = arith.sitofp %convert_element_type3A_160 : vector<32x128xi32> to vector<32x128xf32>
    %reduce_sum3A_162 = arith.constant dense<0.000000e+00> : vector<128xf32>
    %reduce_sum3A_163 = vector.multi_reduction <add>, %convert_element_type3A_161, %reduce_sum3A_162 [0] : vector<32x128xf32> to vector<128xf32>
    %broadcast_in_dim3A_164 = vector.shape_cast %reduce_sum3A_163 : vector<128xf32> to vector<1x128xf32>
    %reduce_sum3A_165 = vector.shape_cast %broadcast_in_dim3A_164 : vector<1x128xf32> to vector<1x1x128xf32>
    %reduce_sum3A_166 = arith.constant dense<0.000000e+00> : vector<1xf32>
    %reduce_sum3A_167 = vector.multi_reduction <add>, %reduce_sum3A_165, %reduce_sum3A_166 [1, 2] : vector<1x1x128xf32> to vector<1xf32>
    %reduce_sum3A_168 = vector.shape_cast %reduce_sum3A_167 : vector<1xf32> to vector<1x1x1xf32>
    %reduce_sum3A_169 = vector.extract %reduce_sum3A_168[0, 0, 0] : f32 from vector<1x1x1xf32>
    %div3A_170 = arith.constant 2.560000e+02 : f32
    %div3A_171 = arith.divf %reduce_sum3A_169, %div3A_170 : f32
    %ceil3A_172 = math.ceil %div3A_171 : f32
    %mul3A_173 = arith.constant 2.560000e+02 : f32
    %mul3A_174 = arith.mulf %ceil3A_172, %mul3A_173 : f32
    %dot_general3A_175 = arith.constant dense<0.000000e+00> : vector<1x128xf32>
    %dot_general3A_176 = tpu.matmul %broadcast_in_dim3A_164, %convert_element_type3A_8, %dot_general3A_175 {dimension_numbers = #tpu.dot_dimension_numbers<[1], [0], [0], [1], [0, 0, 1, 1], [], []>, transpose_lhs_hint = false} : vector<1x128xf32>, vector<128x128xf32>, vector<1x128xf32> -> vector<1x128xf32>
    %dot_general3A_177 = arith.constant dense<0.000000e+00> : vector<32x128xf32>
    %dot_general3A_178 = tpu.matmul %convert_element_type3A_3, %convert_element_type3A_161, %dot_general3A_177 {dimension_numbers = #tpu.dot_dimension_numbers<[1], [0], [0], [1], [0, 0, 1, 1], [], []>, transpose_lhs_hint = false} : vector<32x32xf32>, vector<32x128xf32>, vector<32x128xf32> -> vector<32x128xf32>
    %add3A_179 = vector.broadcast %add3A_156 : f32 to vector<1x128xf32>
    %add3A_180 = arith.addf %add3A_179, %dot_general3A_176 : vector<1x128xf32>
    %add3A_181 = vector.broadcast %add3A_180 : vector<1x128xf32> to vector<32x128xf32>
    %add3A_182 = arith.addf %add3A_181, %dot_general3A_178 : vector<32x128xf32>
    %mul3A_183 = arith.mulf %convert_element_type3A_161, %add3A_182 : vector<32x128xf32>
    %add3A_184 = arith.addf %add3A_147, %mul3A_183 : vector<32x128xf32>
    %add3A_185 = arith.addf %add3A_156, %mul3A_174 : f32
    %div3A_186 = arith.constant 2.560000e+02 : f32
    %div3A_187 = arith.divf %add3A_185, %div3A_186 : f32
    %ge3A_188 = vector.broadcast %div3A_187 : f32 to vector<1x32xf32>
    %ge3A_189 = arith.cmpf oge, %convert_element_type3A_11, %ge3A_188 : vector<1x32xf32>
    %convert_element_type3A_190 = arith.extui %ge3A_189 : vector<1x32xi1> to vector<1x32xi32>
    %convert_element_type3A_191 = arith.sitofp %convert_element_type3A_190 : vector<1x32xi32> to vector<1x32xf32>
    %add3A_192 = arith.addf %add3A_155, %convert_element_type3A_191 : vector<1x32xf32>
    %add3A_193 = arith.addf %add3A_156, %mul3A_174 : f32
    %eq3A_194 = arith.constant 5 : i32
    %eq3A_195 = vector.broadcast %eq3A_194 : i32 to vector<32x128xi32>
    %eq3A_196 = arith.cmpi eq, %get3A_1, %eq3A_195 : vector<32x128xi32>
    %convert_element_type3A_197 = arith.extui %eq3A_196 : vector<32x128xi1> to vector<32x128xi32>
    %convert_element_type3A_198 = arith.sitofp %convert_element_type3A_197 : vector<32x128xi32> to vector<32x128xf32>
    %reduce_sum3A_199 = arith.constant dense<0.000000e+00> : vector<128xf32>
    %reduce_sum3A_200 = vector.multi_reduction <add>, %convert_element_type3A_198, %reduce_sum3A_199 [0] : vector<32x128xf32> to vector<128xf32>
    %broadcast_in_dim3A_201 = vector.shape_cast %reduce_sum3A_200 : vector<128xf32> to vector<1x128xf32>
    %reduce_sum3A_202 = vector.shape_cast %broadcast_in_dim3A_201 : vector<1x128xf32> to vector<1x1x128xf32>
    %reduce_sum3A_203 = arith.constant dense<0.000000e+00> : vector<1xf32>
    %reduce_sum3A_204 = vector.multi_reduction <add>, %reduce_sum3A_202, %reduce_sum3A_203 [1, 2] : vector<1x1x128xf32> to vector<1xf32>
    %reduce_sum3A_205 = vector.shape_cast %reduce_sum3A_204 : vector<1xf32> to vector<1x1x1xf32>
    %reduce_sum3A_206 = vector.extract %reduce_sum3A_205[0, 0, 0] : f32 from vector<1x1x1xf32>
    %div3A_207 = arith.constant 2.560000e+02 : f32
    %div3A_208 = arith.divf %reduce_sum3A_206, %div3A_207 : f32
    %ceil3A_209 = math.ceil %div3A_208 : f32
    %mul3A_210 = arith.constant 2.560000e+02 : f32
    %mul3A_211 = arith.mulf %ceil3A_209, %mul3A_210 : f32
    %dot_general3A_212 = arith.constant dense<0.000000e+00> : vector<1x128xf32>
    %dot_general3A_213 = tpu.matmul %broadcast_in_dim3A_201, %convert_element_type3A_8, %dot_general3A_212 {dimension_numbers = #tpu.dot_dimension_numbers<[1], [0], [0], [1], [0, 0, 1, 1], [], []>, transpose_lhs_hint = false} : vector<1x128xf32>, vector<128x128xf32>, vector<1x128xf32> -> vector<1x128xf32>
    %dot_general3A_214 = arith.constant dense<0.000000e+00> : vector<32x128xf32>
    %dot_general3A_215 = tpu.matmul %convert_element_type3A_3, %convert_element_type3A_198, %dot_general3A_214 {dimension_numbers = #tpu.dot_dimension_numbers<[1], [0], [0], [1], [0, 0, 1, 1], [], []>, transpose_lhs_hint = false} : vector<32x32xf32>, vector<32x128xf32>, vector<32x128xf32> -> vector<32x128xf32>
    %add3A_216 = vector.broadcast %add3A_193 : f32 to vector<1x128xf32>
    %add3A_217 = arith.addf %add3A_216, %dot_general3A_213 : vector<1x128xf32>
    %add3A_218 = vector.broadcast %add3A_217 : vector<1x128xf32> to vector<32x128xf32>
    %add3A_219 = arith.addf %add3A_218, %dot_general3A_215 : vector<32x128xf32>
    %mul3A_220 = arith.mulf %convert_element_type3A_198, %add3A_219 : vector<32x128xf32>
    %add3A_221 = arith.addf %add3A_184, %mul3A_220 : vector<32x128xf32>
    %add3A_222 = arith.addf %add3A_193, %mul3A_211 : f32
    %div3A_223 = arith.constant 2.560000e+02 : f32
    %div3A_224 = arith.divf %add3A_222, %div3A_223 : f32
    %ge3A_225 = vector.broadcast %div3A_224 : f32 to vector<1x32xf32>
    %ge3A_226 = arith.cmpf oge, %convert_element_type3A_11, %ge3A_225 : vector<1x32xf32>
    %convert_element_type3A_227 = arith.extui %ge3A_226 : vector<1x32xi1> to vector<1x32xi32>
    %convert_element_type3A_228 = arith.sitofp %convert_element_type3A_227 : vector<1x32xi32> to vector<1x32xf32>
    %add3A_229 = arith.addf %add3A_192, %convert_element_type3A_228 : vector<1x32xf32>
    %add3A_230 = arith.addf %add3A_193, %mul3A_211 : f32
    %eq3A_231 = arith.constant 6 : i32
    %eq3A_232 = vector.broadcast %eq3A_231 : i32 to vector<32x128xi32>
    %eq3A_233 = arith.cmpi eq, %get3A_1, %eq3A_232 : vector<32x128xi32>
    %convert_element_type3A_234 = arith.extui %eq3A_233 : vector<32x128xi1> to vector<32x128xi32>
    %convert_element_type3A_235 = arith.sitofp %convert_element_type3A_234 : vector<32x128xi32> to vector<32x128xf32>
    %reduce_sum3A_236 = arith.constant dense<0.000000e+00> : vector<128xf32>
    %reduce_sum3A_237 = vector.multi_reduction <add>, %convert_element_type3A_235, %reduce_sum3A_236 [0] : vector<32x128xf32> to vector<128xf32>
    %broadcast_in_dim3A_238 = vector.shape_cast %reduce_sum3A_237 : vector<128xf32> to vector<1x128xf32>
    %reduce_sum3A_239 = vector.shape_cast %broadcast_in_dim3A_238 : vector<1x128xf32> to vector<1x1x128xf32>
    %reduce_sum3A_240 = arith.constant dense<0.000000e+00> : vector<1xf32>
    %reduce_sum3A_241 = vector.multi_reduction <add>, %reduce_sum3A_239, %reduce_sum3A_240 [1, 2] : vector<1x1x128xf32> to vector<1xf32>
    %reduce_sum3A_242 = vector.shape_cast %reduce_sum3A_241 : vector<1xf32> to vector<1x1x1xf32>
    %reduce_sum3A_243 = vector.extract %reduce_sum3A_242[0, 0, 0] : f32 from vector<1x1x1xf32>
    %div3A_244 = arith.constant 2.560000e+02 : f32
    %div3A_245 = arith.divf %reduce_sum3A_243, %div3A_244 : f32
    %ceil3A_246 = math.ceil %div3A_245 : f32
    %mul3A_247 = arith.constant 2.560000e+02 : f32
    %mul3A_248 = arith.mulf %ceil3A_246, %mul3A_247 : f32
    %dot_general3A_249 = arith.constant dense<0.000000e+00> : vector<1x128xf32>
    %dot_general3A_250 = tpu.matmul %broadcast_in_dim3A_238, %convert_element_type3A_8, %dot_general3A_249 {dimension_numbers = #tpu.dot_dimension_numbers<[1], [0], [0], [1], [0, 0, 1, 1], [], []>, transpose_lhs_hint = false} : vector<1x128xf32>, vector<128x128xf32>, vector<1x128xf32> -> vector<1x128xf32>
    %dot_general3A_251 = arith.constant dense<0.000000e+00> : vector<32x128xf32>
    %dot_general3A_252 = tpu.matmul %convert_element_type3A_3, %convert_element_type3A_235, %dot_general3A_251 {dimension_numbers = #tpu.dot_dimension_numbers<[1], [0], [0], [1], [0, 0, 1, 1], [], []>, transpose_lhs_hint = false} : vector<32x32xf32>, vector<32x128xf32>, vector<32x128xf32> -> vector<32x128xf32>
    %add3A_253 = vector.broadcast %add3A_230 : f32 to vector<1x128xf32>
    %add3A_254 = arith.addf %add3A_253, %dot_general3A_250 : vector<1x128xf32>
    %add3A_255 = vector.broadcast %add3A_254 : vector<1x128xf32> to vector<32x128xf32>
    %add3A_256 = arith.addf %add3A_255, %dot_general3A_252 : vector<32x128xf32>
    %mul3A_257 = arith.mulf %convert_element_type3A_235, %add3A_256 : vector<32x128xf32>
    %add3A_258 = arith.addf %add3A_221, %mul3A_257 : vector<32x128xf32>
    %add3A_259 = arith.addf %add3A_230, %mul3A_248 : f32
    %div3A_260 = arith.constant 2.560000e+02 : f32
    %div3A_261 = arith.divf %add3A_259, %div3A_260 : f32
    %ge3A_262 = vector.broadcast %div3A_261 : f32 to vector<1x32xf32>
    %ge3A_263 = arith.cmpf oge, %convert_element_type3A_11, %ge3A_262 : vector<1x32xf32>
    %convert_element_type3A_264 = arith.extui %ge3A_263 : vector<1x32xi1> to vector<1x32xi32>
    %convert_element_type3A_265 = arith.sitofp %convert_element_type3A_264 : vector<1x32xi32> to vector<1x32xf32>
    %add3A_266 = arith.addf %add3A_229, %convert_element_type3A_265 : vector<1x32xf32>
    %add3A_267 = arith.addf %add3A_230, %mul3A_248 : f32
    %eq3A_268 = arith.constant 7 : i32
    %eq3A_269 = vector.broadcast %eq3A_268 : i32 to vector<32x128xi32>
    %eq3A_270 = arith.cmpi eq, %get3A_1, %eq3A_269 : vector<32x128xi32>
    %convert_element_type3A_271 = arith.extui %eq3A_270 : vector<32x128xi1> to vector<32x128xi32>
    %convert_element_type3A_272 = arith.sitofp %convert_element_type3A_271 : vector<32x128xi32> to vector<32x128xf32>
    %reduce_sum3A_273 = arith.constant dense<0.000000e+00> : vector<128xf32>
    %reduce_sum3A_274 = vector.multi_reduction <add>, %convert_element_type3A_272, %reduce_sum3A_273 [0] : vector<32x128xf32> to vector<128xf32>
    %broadcast_in_dim3A_275 = vector.shape_cast %reduce_sum3A_274 : vector<128xf32> to vector<1x128xf32>
    %reduce_sum3A_276 = vector.shape_cast %broadcast_in_dim3A_275 : vector<1x128xf32> to vector<1x1x128xf32>
    %reduce_sum3A_277 = arith.constant dense<0.000000e+00> : vector<1xf32>
    %reduce_sum3A_278 = vector.multi_reduction <add>, %reduce_sum3A_276, %reduce_sum3A_277 [1, 2] : vector<1x1x128xf32> to vector<1xf32>
    %reduce_sum3A_279 = vector.shape_cast %reduce_sum3A_278 : vector<1xf32> to vector<1x1x1xf32>
    %reduce_sum3A_280 = vector.extract %reduce_sum3A_279[0, 0, 0] : f32 from vector<1x1x1xf32>
    %div3A_281 = arith.constant 2.560000e+02 : f32
    %div3A_282 = arith.divf %reduce_sum3A_280, %div3A_281 : f32
    %ceil3A_283 = math.ceil %div3A_282 : f32
    %mul3A_284 = arith.constant 2.560000e+02 : f32
    %mul3A_285 = arith.mulf %ceil3A_283, %mul3A_284 : f32
    %dot_general3A_286 = arith.constant dense<0.000000e+00> : vector<1x128xf32>
    %dot_general3A_287 = tpu.matmul %broadcast_in_dim3A_275, %convert_element_type3A_8, %dot_general3A_286 {dimension_numbers = #tpu.dot_dimension_numbers<[1], [0], [0], [1], [0, 0, 1, 1], [], []>, transpose_lhs_hint = false} : vector<1x128xf32>, vector<128x128xf32>, vector<1x128xf32> -> vector<1x128xf32>
    %dot_general3A_288 = arith.constant dense<0.000000e+00> : vector<32x128xf32>
    %dot_general3A_289 = tpu.matmul %convert_element_type3A_3, %convert_element_type3A_272, %dot_general3A_288 {dimension_numbers = #tpu.dot_dimension_numbers<[1], [0], [0], [1], [0, 0, 1, 1], [], []>, transpose_lhs_hint = false} : vector<32x32xf32>, vector<32x128xf32>, vector<32x128xf32> -> vector<32x128xf32>
    %add3A_290 = vector.broadcast %add3A_267 : f32 to vector<1x128xf32>
    %add3A_291 = arith.addf %add3A_290, %dot_general3A_287 : vector<1x128xf32>
    %add3A_292 = vector.broadcast %add3A_291 : vector<1x128xf32> to vector<32x128xf32>
    %add3A_293 = arith.addf %add3A_292, %dot_general3A_289 : vector<32x128xf32>
    %mul3A_294 = arith.mulf %convert_element_type3A_272, %add3A_293 : vector<32x128xf32>
    %add3A_295 = arith.addf %add3A_258, %mul3A_294 : vector<32x128xf32>
    %add3A_296 = arith.addf %add3A_267, %mul3A_285 : f32
    %div3A_297 = arith.constant 2.560000e+02 : f32
    %div3A_298 = arith.divf %add3A_296, %div3A_297 : f32
    %ge3A_299 = vector.broadcast %div3A_298 : f32 to vector<1x32xf32>
    %ge3A_300 = arith.cmpf oge, %convert_element_type3A_11, %ge3A_299 : vector<1x32xf32>
    %convert_element_type3A_301 = arith.extui %ge3A_300 : vector<1x32xi1> to vector<1x32xi32>
    %convert_element_type3A_302 = arith.sitofp %convert_element_type3A_301 : vector<1x32xi32> to vector<1x32xf32>
    %add3A_303 = arith.addf %add3A_266, %convert_element_type3A_302 : vector<1x32xf32>
    %convert_element_type3A_304 = arith.fptosi %add3A_295 : vector<32x128xf32> to vector<32x128xi32>
    %swap3A = arith.constant 0 : index
    %swap3A_305 = arith.constant 0 : index
    %swap3A_306 = vector.load %arg1[%swap3A, %swap3A_305] : memref<32x128xi32, #tpu.memory_space<vmem>>, vector<32x128xi32>
    tpu.vector_store %arg1[%swap3A, %swap3A_305], %convert_element_type3A_304 {strides = array<i32>} : memref<32x128xi32, #tpu.memory_space<vmem>>, vector<32x128xi32>,
    %min3A = arith.constant 7.000000e+00 : f32
    %min3A_307 = vector.broadcast %min3A : f32 to vector<1x32xf32>
    %min3A_308 = arith.minimumf %add3A_303, %min3A_307 : vector<1x32xf32>
    %convert_element_type3A_309 = arith.fptosi %min3A_308 : vector<1x32xf32> to vector<1x32xi32>
    %swap3A_310 = arith.constant 0 : index
    %swap3A_311 = arith.constant 0 : index
    %swap3A_312 = vector.load %arg2[%swap3A_310, %swap3A_311] : memref<1x32xi32, #tpu.memory_space<vmem>>, vector<1x32xi32>
    tpu.vector_store %arg2[%swap3A_310, %swap3A_311], %convert_element_type3A_309 {strides = array<i32>} : memref<1x32xi32, #tpu.memory_space<vmem>>, vector<1x32xi32>,
    %lt3A_313 = vector.broadcast %div3A_298 : f32 to vector<1x32xf32>
    %lt3A_314 = arith.cmpf olt, %convert_element_type3A_11, %lt3A_313 : vector<1x32xf32>
    %convert_element_type3A_315 = arith.extui %lt3A_314 : vector<1x32xi1> to vector<1x32xi32>
    %swap3A_316 = arith.constant 0 : index
    %swap3A_317 = arith.constant 0 : index
    %swap3A_318 = vector.load %arg3[%swap3A_316, %swap3A_317] : memref<1x32xi32, #tpu.memory_space<vmem>>, vector<1x32xi32>
    tpu.vector_store %arg3[%swap3A_316, %swap3A_317], %convert_element_type3A_315 {strides = array<i32>} : memref<1x32xi32, #tpu.memory_space<vmem>>, vector<1x32xi32>,
    return
  }
}

</mosaic_0001>

<sc_bundles>
// kernel: kernel.6.cloned.1.call-start
scs
__scs_entry_jumppad:
0x0: {  	(pc) =	sbr.rel $0x88, $3  }
0x1: {  	(tag) =	ssettag $0x0;
	lr =	simm.s32 $0x1  }
0x2: {  	[smem:$0x3F9D] =	sst lr;
	_ =	strace $0xD0000000  }
0x3: {  	_ = 	snop  }
0x4: {  	_ = 	snop  }
0x5: {  	_ = 	snop  }
0x6: {  	_ = 	snop  }
0x7: {  	_ = 	snop  }
__scs_overlays_trampoline_lowered:
0x8: {  	[smem:$0x3FAC] =	sst s0  }
0x9: {  	[smem:$0x3FAD] =	sst s1  }
0xa: {  	[smem:$0x3FAE] =	sst s2  }
0xb: {  	[smem:$0x3FAF] =	sst s3  }
0xc: {  	[smem:$0x3FB0] =	sst s4  }
0xd: {  	[smem:$0x3FB1] =	sst s5  }
0xe: {  	[smem:$0x3FB2] =	sst s6  }
0xf: {  	[smem:$0x3FB3] =	sst s7  }
0x10: {  	[smem:$0x3FB4] =	sst s8  }
0x11: {  	[smem:$0x3FB5] =	sst s9;
	s0 =	simm.s32 @!p0 $0x0  }
0x12: {  	s1 =	sld [smem:$0x3F9B];
	s0 =	simm.s32 @p0 $0x1  }
0x13: {  	[smem:$0x3FB6] =	sst s0;
	s0 =	simm.s32 @!p1 $0x0  }
0x14: {  	s2 =	sld [smem:$0x3F9A];
	s0 =	simm.s32 @p1 $0x1  }
0x15: {  	[smem:$0x3FB7] =	sst s0;
	s0 =	simm.s32 @!p2 $0x0  }
0x16: {  	s3 =	sld [smem:$0x3FDB];
	s0 =	simm.s32 @p2 $0x1  }
0x17: {  	s4 =	simm.s32 $0x1BF5;
	[smem:$0x3FB9] =	sst s0  }
0x18: {  	s0 =	sld [smem:$0x3F9C];
	_ =	swait.ge [sflag:s4], $0x0  }
0x19: {  	s7 =	sld [smem:$0x3F9D]  }
0x1a: {  	s8 =	sadd.s32 $0xFFFFE003, lr  }
0x1b: {  	s9 =	sadd.s32 $0xFFFFFEF7, lr;
	s5 =	simm.s32 $0xFFFFFFFF;
	p2 =	slt.u32 s8, $0xFFFFF086  }
0x1c: {  	p1 =	slt.u32 s9, $0xF7A;
	s5 =	simm.s32 @!p2 $0x0  }
0x1d: {  	s5 =	simm.s32 @p1 $0x1;
	p0 =	seq.s32 s7, s2  }
0x1e: {  	s7 =	smul.u32 @!p0 $0xF7A, s2;
	p2 =	seq.s32 @!p0 s5, $0x0  }
0x1f: {  	s9 =	smul.u32 $0xF7A, s1;
	s8 =	simm.s32 @!p0 $0x1BF5;
	p2 =	por !p2, p0  }
0x20: {  	[sflag:s8] =	ssyncset.s32 @!p0 $0xFFFFF086;
	s6 =	sadd.s32 @!p0 s3, s7;
	s7 =	simm.s32 @!p0 $0x108  }
0x21: {  	s3 =	sadd.s32 s3, s9;
	s6 =	sadd.s32 @!p0 $0x88, s6;
	s7 =	simm.s32 @p2 $0x1082  }
0x22: {  	[simem:s7], [sflag:s8] =	dma.local @!p0 [hbm:s6], $0xF7A  }
0x23: {  	s9 =	sor.u32 $0xD0000000, s2;
	s6 =	simm.s32 $0x108;
	_ =	swait.ge @!p0 [sflag:s8], $0x0  }
0x24: {  	s3 =	sadd.s32 $0x88, s3;
	s6 =	simm.s32 @!p1 $0x1082;
	[sflag:s4] =	ssyncset.s32 $0xFFFFF086  }
0x25: {  	[simem:s6], [sflag:s4] =	dma.local [hbm:s3], $0xF7A  }
0x26: {  	[smem:$0x3F9D] =	sst s1;
	(tag) =	ssettag s2;
	_ =	strace s9  }
0x27: {  	s1 =	sld [smem:$0x3FAD]  }
0x28: {  	s2 =	sld [smem:$0x3FAE]  }
0x29: {  	s4 =	sld [smem:$0x3FB0]  }
0x2a: {  	p0 =	seq.s32 s5, $0x0;
	s5 =	sld [smem:$0x3FB1]  }
0x2b: {  	s6 =	sld [smem:$0x3FB2]  }
0x2c: {  	s7 =	sld [smem:$0x3FB3]  }
0x2d: {  	s3 =	simm.s32 $0x108;
	s8 =	sld [smem:$0x3FB4]  }
0x2e: {  	s3 =	simm.s32 @!p0 $0x1082;
	s9 =	sld [smem:$0x3FB5]  }
0x2f: {  	lr =	sadd.s32 s0, s3;
	s0 =	sld [smem:$0x3FAC]  }
0x30: {  	s3 =	sld [smem:$0x3FAF]  }
0x31: {  	[smem:$0x3FB8] =	sst s10  }
0x32: {  	s10 =	sld [smem:$0x3FB6];
	_ =	sdelay $0x3  }
0x33: {  	p0 =	seq.s32 s10, $0x1;
	s10 =	sld [smem:$0x3FB8];
	_ =	sdelay $0x3  }
0x34: {  	[smem:$0x3FB8] =	sst s10  }
0x35: {  	s10 =	sld [smem:$0x3FB7];
	_ =	sdelay $0x3  }
0x36: {  	p1 =	seq.s32 s10, $0x1;
	s10 =	sld [smem:$0x3FB8];
	_ =	sdelay $0x3  }
0x37: {  	[smem:$0x3FB8] =	sst s10  }
0x38: {  	s10 =	sld [smem:$0x3FB9]  }
0x39: {  	_ = 	snop;
	(pc) =	sbr.ind lr, $3  }
0x3a: {  	_ = 	snop  }
0x3b: {  	_ = 	snop  }
0x3c: {  	p2 =	seq.s32 s10, $0x1;
	s10 =	sld [smem:$0x3FB8]  }
0x3d: {  	_ =	shalt  }
0x3e: {  	_ =	shalt  }
0x3f: {  	_ =	shalt  }
0x40: {  	_ =	shalt  }
0x41: {  	_ =	shalt  }
0x42: {  	_ =	shalt  }
0x43: {  	_ =	shalt  }
0x44: {  	_ =	shalt  }
0x45: {  	_ =	shalt  }
0x46: {  	_ =	shalt  }
0x47: {  	_ =	shalt  }
0x48: {  	_ =	shalt  }
0x49: {  	_ =	shalt  }
0x4a: {  	_ =	shalt  }
0x4b: {  	_ =	shalt  }
0x4c: {  	_ =	shalt  }
0x4d: {  	_ =	shalt  }
0x4e: {  	_ =	shalt  }
0x4f: {  	_ =	shalt  }
0x50: {  	_ =	shalt  }
0x51: {  	_ =	shalt  }
0x52: {  	_ =	shalt  }
0x53: {  	_ =	shalt  }
0x54: {  	_ =	shalt  }
0x55: {  	_ =	shalt  }
0x56: {  	_ =	shalt  }
0x57: {  	_ =	shalt  }
0x58: {  	_ =	shalt  }
0x59: {  	_ =	shalt  }
0x5a: {  	_ =	shalt  }
0x5b: {  	_ =	shalt  }
0x5c: {  	_ =	shalt  }
0x5d: {  	_ =	shalt  }
0x5e: {  	_ =	shalt  }
0x5f: {  	_ =	shalt  }
0x60: {  	_ =	shalt  }
0x61: {  	_ =	shalt  }
0x62: {  	_ =	shalt  }
0x63: {  	_ =	shalt  }
0x64: {  	_ =	shalt  }
0x65: {  	_ =	shalt  }
0x66: {  	_ =	shalt  }
0x67: {  	_ =	shalt  }
0x68: {  	_ =	shalt  }
0x69: {  	_ =	shalt  }
0x6a: {  	_ =	shalt  }
0x6b: {  	_ =	shalt  }
0x6c: {  	_ =	shalt  }
0x6d: {  	_ =	shalt  }
0x6e: {  	_ =	shalt  }
0x6f: {  	_ =	shalt  }
0x70: {  	_ =	shalt  }
0x71: {  	_ =	shalt  }
0x72: {  	_ =	shalt  }
0x73: {  	_ =	shalt  }
0x74: {  	_ =	shalt  }
0x75: {  	_ =	shalt  }
0x76: {  	_ =	shalt  }
0x77: {  	_ =	shalt  }
0x78: {  	_ =	shalt  }
0x79: {  	_ =	shalt  }
0x7a: {  	_ =	shalt  }
0x7b: {  	_ =	shalt  }
0x7c: {  	_ =	shalt  }
0x7d: {  	_ =	shalt  }
0x7e: {  	_ =	shalt  }
0x7f: {  	_ =	shalt  }
0x80: {  	_ =	shalt  }
0x81: {  	_ =	shalt  }
0x82: {  	_ =	shalt  }
0x83: {  	_ =	shalt  }
0x84: {  	_ =	shalt  }
0x85: {  	_ =	shalt  }
0x86: {  	_ =	shalt  }
0x87: {  	_ =	shalt  }
.Lfunc_end0:
.L_simem_size_0:
called_computation_lowered:
.L_overlay_start_0:
0x88: {  	s2 =	sld [smem:$0x3FD9]  }
0x89: {  	s3 =	sld [smem:$0x3FFE];
	_ =	sdelay $0x1  }
0x8a: {  	s1 =	srdreg.scid  }
0x8b: {  	s0 =	sand.u32 $0x1, s1  }
0x8c: {  	s17 =	sshll.u32 s0, $0xA;
	s2 =	sadd.s32 s3, s2  }
0x8d: {  	s2 =	sadd.s32 s2, s17  }
0x8e: {  	[smem:$0x3FC4] =	sst s2  }
0x8f: {  	_ = 	snop  }
0x90: {  	s2 =	sld [smem:$0x3FC9];
	(tm) =	ssettm $0x1  }
0x91: {  	s18 =	sld [smem:$0x3FFB];
	_ =	sdelay $0x3  }
0x92: {  	_ =	strace s18  }
0x93: {  	s3 =	sld [smem:$0x3FFC];
	_ =	sdelay $0x3  }
0x94: {  	_ =	strace s3  }
0x95: {  	s3 =	sld [smem:$0x3FFD];
	_ =	sdelay $0x3  }
0x96: {  	_ =	strace s3  }
0x97: {  	_ =	strace $0x8FFFFFFF  }
0x98: {  	s19 =	sld [smem:$0x3FDB];
	_ =	sdelay $0x1  }
0x99: {  	s4 =	simm.s32 $_scs_section_size  }
0x9a: {  	s5 =	simm.s32 $_size__tile_overlayer_lowered;
	s6 =	simm.s32 $_tile_overlayer_lowered  }
0x9b: {  	s22 =	simm.s32 $0x1BFF;
	s21 =	sshll.u32 s6, $0x1;
	s3 =	sadd.s32 s4, s19  }
0x9c: {  	s7 =	simm.s32 $0x0;
	s20 =	sshll.u32 s5, $0x1;
	s5 =	sadd.s32 s21, s3  }
0x9d: {  	[timem:s7], [sflag:s22] =	dma.local [hbm:s5], s20  }
0x9e: {  	_ =	swait.ge [sflag:s22], s20  }
0x9f: {  	s4 =	ssub.s32 $0x0, s20;
	[sflag:s22] =	ssyncset.done $0x0  }
0xa0: {  	[sflag:s22] =	ssyncadd.s32 s4;
	_ =	sdelay $0x1  }
0xa1: {  	s23 =	simm.s32 $0x1B8B  }
0xa2: {  	_ =	swait.ge [sflag:s23], $0x1  }
0xa3: {  	[sflag:s23] =	ssyncset.done $0x0  }
0xa4: {  	s25 =	simm.s32 $0x1B8E;
	s24 =	sld [smem:$0x3FFE];
	[sflag:s23] =	ssyncadd.s32 $0xFFFFFFFF  }
0xa5: {  	s26 =	simm.s32 $execute0_lowered;
	[smem:$0x3FD2] =	sst s25  }
0xa6: {  	s5 =	sshll.u32 s26, $0x1;
	_ =	strace $0x80000046;
	[dreg:$0x1] =	wrdreg $0xFFFFFFFF  }
0xa7: {  	s28 =	simm.s32 $_size_execute0_lowered;
	s3 =	sadd.s32 s3, s5;
	[dreg:$0x0] =	wrdreg $0x0  }
0xa8: {  	s5 =	sshll.u32 s28, $0x1;
	[dreg:$0x2] =	wrdreg s3  }
0xa9: {  	[dreg:$0x3] =	wrdreg s5  }
0xaa: {  	[dreg:$0x4] =	wrdreg $0xC0  }
0xab: {  	_ =	task [dreg:s7], $0x5FFFF  }
0xac: {  	[dreg:$0x1] =	wrdreg $0xFFFFFFFF  }
0xad: {  	[dreg:$0x0] =	wrdreg $0x60  }
0xae: {  	[dreg:$0x2] =	wrdreg s2  }
0xaf: {  	[dreg:$0x3] =	wrdreg s24  }
0xb0: {  	[dreg:$0x4] =	wrdreg $0x9  }
0xb1: {  	_ =	task.clear_ibuf [dreg:s7], $0x5FFFF;
	_ =	strace $0x90000046  }
0xb2: {  	s29 =	simm.s32 $0x9;
	_ =	strace $0x80000048  }
0xb3: {  	_ =	swait.ge [sflag:s29], $0x1  }
0xb4: {  	[sflag:s29] =	ssyncadd.s32 $0xFFFFFFFF  }
0xb5: {  	_ =	strace $0x90000048  }
0xb6: {  	_ =	sfence  }
0xb7: {  	s30 =	sld [smem:$0x0];
	_ =	sdelay $0x2  }
0xb8: {  	s31 =	sshll.u32 s1, $0xD;
	s1 =	sshrl.u32 s1, $0x2  }
0xb9: {  	s3 =	sand.u32 $0x4000, s31;
	s1 =	sadd.s32 s1, s30  }
0xba: {  	s0 =	sor.u32 s3, s0;
	s1 =	sshll.u32 s1, $0x11  }
0xbb: {  	s0 =	sor.u32 s1, s0  }
0xbc: {  	s0 =	sadd.s32 $0x8F2B, s0  }
0xbd: {  	[sflag:s0] =	ssyncadd.remote.s32 $0x1  }
0xbe: {  	_ =	sfence.sel $0xFFFF  }
0xbf: {  	[dreg:$0x0] =	wrdreg $0xFFFFFFFF;
	(pc) =	sbr.abs _section_cstart, $3  }
0xc0: {  	[dreg:$0x1] =	wrdreg $0xFFFFFFFF  }
0xc1: {  	_ =	task.clear_ibuf [dreg:s7], $0x2FFFF;
	_ =	strace $0x9FFFFFFF  }
0xc2: {  	(tm) =	ssettm $0x7FFFFFFF  }
0xc3: {  	_ =	shalt  }
tec
execute0_lowered:
.L_overlay_start_1:
0x0: {  	(tag) =	ssettag $0x1  }
0x1: {  	s0 =	srdreg.scid;
	s1 =	rddreg [dreg:$0x0]  }
0x2: {  	s4 =	rddreg [dreg:$0x1];
	s6 =	stileid.u32  }
0x3: {  	s13 =	simm.s32 $0x2;
	s14 =	simm.s32 $0x80;
	s28 =	simm.s32 $0x1  }
0x4: {  	s30 =	simm.s32 $0x880;
	s31 =	simm.s32 $0x1080;
	s15 =	simm.s32 $0x3080  }
0x5: {  	s16 =	simm.s32 $0x3880;
	s17 =	simm.s32 $0x4080;
	s18 =	simm.s32 $0x4880  }
0x6: {  	s19 =	simm.s32 $0x5080;
	s20 =	simm.s32 $0x5880;
	s0 =	sand.u32 $0x1, s0  }
0x7: {  	s8 =	sadd.s32 $0x1600, s4;
	s9 =	sadd.s32 $0x1700, s4;
	s2 =	sshll.u32 s0, $0x4  }
0x8: {  	s10 =	sadd.s32 $0x1800, s4;
	s0 =	ssub.s32 $0x2, s0;
	s5 =	sor.u32 s6, s2  }
0x9: {  	s2 =	simm.s32 $0x0;
	s6 =	sshll.u32 s6, $0x4;
	s21 =	sshrl.u32 s0, $0x1  }
0xa: {  	s3 =	sshll.u32 s5, $0x4;
	[smem:$0x7FF] =	sst s2;
	s6 =	sand.u32 $0x70, s6  }
0xb: {  	s5 =	sshll.u32 s5, $0xF;
	s0 =	ssub.s32 s0, s21;
	s21 =	simm.s32 $0x6080  }
0xc: {  	s3 =	sand.u32 $0x180, s3;
	_ =	strace $0x80000047;
	s12 =	sadd.s32 s1, s5  }
0xd: {  	s5 =	sadd.s32 $0x1300, s4;
	s1 =	simm.s32 $0x2080;
	s3 =	sor.u32 s6, s3  }
0xe: {  	s6 =	sadd.s32 $0x1400, s4;
	s23 =	sadd.s32 $0x2000, s12;
	[dreg:$0xa] =	wrdreg s12  }
0xf: {  	s25 =	sadd.s32 $0x4000, s12;
	s29 =	sadd.s32 $0x6000, s12;
	[dreg:$0x5] =	wrdreg s23  }
0x10: {  	s12 =	smax.u32 s0, $0x1;
	s11 =	sadd.s32 s3, s4;
	[dreg:$0x7] =	wrdreg s25  }
0x11: {  	s3 =	sadd.s32 $0x1200, s4;
	[dreg:$0x9] =	wrdreg s29;
	s7 =	sadd.s32 $0x1000, s11  }
0x12: {  	s23 =	simm.s32 $0x7080;
	s22 =	sadd.s32 $0x1004, s11;
	[dreg:$0x3] =	wrdreg s7  }
0x13: {  	s25 =	simm.s32 $0x8080;
	s24 =	sadd.s32 $0x1008, s11;
	[dreg:$0x4] =	wrdreg s22  }
0x14: {  	v2 =	vlaneseq.u32;
	s26 =	sadd.s32 $0x100C, s11;
	s11 =	sadd.s32 $0x1900, s4;
	[dreg:$0x6] =	wrdreg s24  }
0x15: {  	vm0 =	vmmov $0xffff;
	v1 =	vshrl.u32 v2, $0x3;
	s7 =	sadd.s32 $0x1500, s4;
	[dreg:$0x8] =	wrdreg s26;
	s4 =	simm.s32 $0x2880  }
0x16: {  	v0 =	vand.u32 $0x7, v2;
	v2 =	vor.u32 $0x8, v2;
	v1 =	vmul.u32 $0x8, v1;
	s22 =	simm.s32 $0x6880;
	s24 =	simm.s32 $0x7880;
	s26 =	simm.s32 $0x8880  }
.LBB2_1:
0x17: {  	s29 =	rddreg [dreg:$0x3]  }
0x18: {  	[tilespmem:s2], [sflag:$0x2] =	stream.linear.gather [hbm4b:s29+s2], $0x20, $0x38;
	[tilespmem:$0x10080] =	vst v63  }
0x19: {  	_ =	swait.ge [sflag:s13], $0x20  }
0x1a: {  	[sflag:s13] =	ssyncset.done $0x0  }
0x1b: {  	s0 =	rddreg [dreg:$0xa];
	[sflag:s13] =	ssyncadd.s32 $0xFFFFFFE0  }
0x1c: {  	[tilespmem:s14], [sflag:$0x2] =	stream.linear.gather [hbm4b:s0+s2], $0x10000, $0x38;
	[tilespmem:$0x10080] =	vst v63  }
0x1d: {  	_ =	swait.ge [sflag:s13], $0x10000  }
0x1e: {  	[sflag:s13] =	ssyncset.done $0x0  }
0x1f: {  	[sflag:s13] =	ssyncadd.s32 $0xFFFF0000  }
0x20: {  	v3 =	vld [tilespmem:$0x0];
	_ =	sdelay $0x4  }
0x21: {  	v4 =	vshll.u32 v3, $0x4  }
0x22: {  	v3 =	vand.u32 $0x7, v3;
	v4 =	vand.u32 $0xFFFFFF80, v4  }
0x23: {  	v3 =	vor.u32 v3, v4  }
0x24: {  	v4 =	vperm.xlane v3, v0;
	_ =	sdelay $0x1  }
0x25: {  	v4 =	vadd.s32 v1, v4;
	_ =	sdelay $0x4  }
0x26: {  	[hbm4b:s3+s2] =	stream.indirect_vreg.scatter [tilespmem:s14], [sflag:$0x1], $0x80, v4, vm0, $0xb8;
	[tilespmem:$0x10080] =	vst v63  }
0x27: {  	_ = 	snop  }
0x28: {  	[hbm4b:s5+s2] =	stream.indirect_vreg.scatter [tilespmem:s30], [sflag:$0x1], $0x80, v4, vm0, $0xb8;
	[tilespmem:$0x10080] =	vst v63  }
0x29: {  	_ = 	snop  }
0x2a: {  	[hbm4b:s6+s2] =	stream.indirect_vreg.scatter [tilespmem:s31], [sflag:$0x1], $0x80, v4, vm0, $0xb8;
	[tilespmem:$0x10080] =	vst v63  }
0x2b: {  	s0 =	simm.s32 $0x1880  }
0x2c: {  	[hbm4b:s7+s2] =	stream.indirect_vreg.scatter [tilespmem:s0], [sflag:$0x1], $0x80, v4, vm0, $0xb8;
	[tilespmem:$0x10080] =	vst v63  }
0x2d: {  	_ = 	snop  }
0x2e: {  	[hbm4b:s8+s2] =	stream.indirect_vreg.scatter [tilespmem:s1], [sflag:$0x1], $0x80, v4, vm0, $0xb8;
	[tilespmem:$0x10080] =	vst v63  }
0x2f: {  	v3 =	vperm.xlane v3, v2  }
0x30: {  	[hbm4b:s9+s2] =	stream.indirect_vreg.scatter [tilespmem:s4], [sflag:$0x1], $0x80, v4, vm0, $0xb8;
	[tilespmem:$0x10080] =	vst v63  }
0x31: {  	v3 =	vadd.s32 v1, v3  }
0x32: {  	[hbm4b:s10+s2] =	stream.indirect_vreg.scatter [tilespmem:s15], [sflag:$0x1], $0x80, v4, vm0, $0xb8;
	[tilespmem:$0x10080] =	vst v63  }
0x33: {  	_ = 	snop  }
0x34: {  	[hbm4b:s11+s2] =	stream.indirect_vreg.scatter [tilespmem:s16], [sflag:$0x1], $0x80, v4, vm0, $0xb8;
	[tilespmem:$0x10080] =	vst v63  }
0x35: {  	_ = 	snop  }
0x36: {  	[hbm4b:s3+s2] =	stream.indirect_vreg.scatter [tilespmem:s17], [sflag:$0x1], $0x80, v3, vm0, $0xb8;
	[tilespmem:$0x10080] =	vst v63  }
0x37: {  	_ = 	snop  }
0x38: {  	[hbm4b:s5+s2] =	stream.indirect_vreg.scatter [tilespmem:s18], [sflag:$0x1], $0x80, v3, vm0, $0xb8;
	[tilespmem:$0x10080] =	vst v63  }
0x39: {  	_ = 	snop  }
0x3a: {  	[hbm4b:s6+s2] =	stream.indirect_vreg.scatter [tilespmem:s19], [sflag:$0x1], $0x80, v3, vm0, $0xb8;
	[tilespmem:$0x10080] =	vst v63  }
0x3b: {  	_ = 	snop  }
0x3c: {  	[hbm4b:s7+s2] =	stream.indirect_vreg.scatter [tilespmem:s20], [sflag:$0x1], $0x80, v3, vm0, $0xb8;
	[tilespmem:$0x10080] =	vst v63  }
0x3d: {  	_ = 	snop  }
0x3e: {  	[hbm4b:s8+s2] =	stream.indirect_vreg.scatter [tilespmem:s21], [sflag:$0x1], $0x80, v3, vm0, $0xb8;
	[tilespmem:$0x10080] =	vst v63  }
0x3f: {  	_ = 	snop  }
0x40: {  	[hbm4b:s9+s2] =	stream.indirect_vreg.scatter [tilespmem:s22], [sflag:$0x1], $0x80, v3, vm0, $0xb8;
	[tilespmem:$0x10080] =	vst v63  }
0x41: {  	_ = 	snop  }
0x42: {  	[hbm4b:s10+s2] =	stream.indirect_vreg.scatter [tilespmem:s23], [sflag:$0x1], $0x80, v3, vm0, $0xb8;
	[tilespmem:$0x10080] =	vst v63  }
0x43: {  	_ = 	snop  }
0x44: {  	[hbm4b:s11+s2] =	stream.indirect_vreg.scatter [tilespmem:s24], [sflag:$0x1], $0x80, v3, vm0, $0xb8;
	[tilespmem:$0x10080] =	vst v63  }
0x45: {  	v3 =	vld [tilespmem:$0x10];
	_ =	sdelay $0x4  }
0x46: {  	v57 =	vshll.u32 v3, $0x4  }
0x47: {  	v3 =	vand.u32 $0x7, v3;
	v4 =	vand.u32 $0xFFFFFF80, v57  }
0x48: {  	v3 =	vor.u32 v3, v4  }
0x49: {  	v4 =	vperm.xlane v3, v0;
	_ =	sdelay $0x1  }
0x4a: {  	v4 =	vadd.s32 v1, v4;
	_ =	sdelay $0x4  }
0x4b: {  	[hbm4b:s3+s2] =	stream.indirect_vreg.scatter [tilespmem:s25], [sflag:$0x1], $0x80, v4, vm0, $0xb8;
	[tilespmem:$0x10080] =	vst v63  }
0x4c: {  	_ = 	snop  }
0x4d: {  	[hbm4b:s5+s2] =	stream.indirect_vreg.scatter [tilespmem:s26], [sflag:$0x1], $0x80, v4, vm0, $0xb8;
	[tilespmem:$0x10080] =	vst v63  }
0x4e: {  	s29 =	simm.s32 $0x9080  }
0x4f: {  	[hbm4b:s6+s2] =	stream.indirect_vreg.scatter [tilespmem:s29], [sflag:$0x1], $0x80, v4, vm0, $0xb8;
	[tilespmem:$0x10080] =	vst v63  }
0x50: {  	s29 =	simm.s32 $0x9880  }
0x51: {  	[hbm4b:s7+s2] =	stream.indirect_vreg.scatter [tilespmem:s29], [sflag:$0x1], $0x80, v4, vm0, $0xb8;
	[tilespmem:$0x10080] =	vst v63  }
0x52: {  	s29 =	simm.s32 $0xA080  }
0x53: {  	[hbm4b:s8+s2] =	stream.indirect_vreg.scatter [tilespmem:s29], [sflag:$0x1], $0x80, v4, vm0, $0xb8;
	[tilespmem:$0x10080] =	vst v63  }
0x54: {  	v3 =	vperm.xlane v3, v2;
	s29 =	simm.s32 $0xA880  }
0x55: {  	[hbm4b:s9+s2] =	stream.indirect_vreg.scatter [tilespmem:s29], [sflag:$0x1], $0x80, v4, vm0, $0xb8;
	[tilespmem:$0x10080] =	vst v63  }
0x56: {  	v3 =	vadd.s32 v1, v3;
	s29 =	simm.s32 $0xB080  }
0x57: {  	[hbm4b:s10+s2] =	stream.indirect_vreg.scatter [tilespmem:s29], [sflag:$0x1], $0x80, v4, vm0, $0xb8;
	[tilespmem:$0x10080] =	vst v63  }
0x58: {  	s29 =	simm.s32 $0xB880  }
0x59: {  	[hbm4b:s11+s2] =	stream.indirect_vreg.scatter [tilespmem:s29], [sflag:$0x1], $0x80, v4, vm0, $0xb8;
	[tilespmem:$0x10080] =	vst v63  }
0x5a: {  	s29 =	simm.s32 $0xC080  }
0x5b: {  	[hbm4b:s3+s2] =	stream.indirect_vreg.scatter [tilespmem:s29], [sflag:$0x1], $0x80, v3, vm0, $0xb8;
	[tilespmem:$0x10080] =	vst v63  }
0x5c: {  	s29 =	simm.s32 $0xC880  }
0x5d: {  	[hbm4b:s5+s2] =	stream.indirect_vreg.scatter [tilespmem:s29], [sflag:$0x1], $0x80, v3, vm0, $0xb8;
	[tilespmem:$0x10080] =	vst v63  }
0x5e: {  	s29 =	simm.s32 $0xD080  }
0x5f: {  	[hbm4b:s6+s2] =	stream.indirect_vreg.scatter [tilespmem:s29], [sflag:$0x1], $0x80, v3, vm0, $0xb8;
	[tilespmem:$0x10080] =	vst v63  }
0x60: {  	s29 =	simm.s32 $0xD880  }
0x61: {  	[hbm4b:s7+s2] =	stream.indirect_vreg.scatter [tilespmem:s29], [sflag:$0x1], $0x80, v3, vm0, $0xb8;
	[tilespmem:$0x10080] =	vst v63  }
0x62: {  	s29 =	simm.s32 $0xE080  }
0x63: {  	[hbm4b:s8+s2] =	stream.indirect_vreg.scatter [tilespmem:s29], [sflag:$0x1], $0x80, v3, vm0, $0xb8;
	[tilespmem:$0x10080] =	vst v63  }
0x64: {  	s29 =	simm.s32 $0xE880  }
0x65: {  	[hbm4b:s9+s2] =	stream.indirect_vreg.scatter [tilespmem:s29], [sflag:$0x1], $0x80, v3, vm0, $0xb8;
	[tilespmem:$0x10080] =	vst v63  }
0x66: {  	s29 =	simm.s32 $0xF080  }
0x67: {  	[hbm4b:s10+s2] =	stream.indirect_vreg.scatter [tilespmem:s29], [sflag:$0x1], $0x80, v3, vm0, $0xb8;
	[tilespmem:$0x10080] =	vst v63  }
0x68: {  	s29 =	simm.s32 $0xF880  }
0x69: {  	[hbm4b:s11+s2] =	stream.indirect_vreg.scatter [tilespmem:s29], [sflag:$0x1], $0x80, v3, vm0, $0xb8;
	[tilespmem:$0x10080] =	vst v63  }
0x6a: {  	_ =	swait.ge [sflag:s28], $0x10000  }
0x6b: {  	[sflag:s28] =	ssyncset.done $0x0  }
0x6c: {  	s29 =	rddreg [dreg:$0x4];
	[sflag:s28] =	ssyncadd.s32 $0xFFFF0000  }
0x6d: {  	[tilespmem:s2], [sflag:$0x2] =	stream.linear.gather [hbm4b:s29+s2], $0x20, $0x38;
	[tilespmem:$0x10080] =	vst v63  }
0x6e: {  	_ =	swait.ge [sflag:s13], $0x20  }
0x6f: {  	[sflag:s13] =	ssyncset.done $0x0  }
0x70: {  	s29 =	rddreg [dreg:$0x5];
	[sflag:s13] =	ssyncadd.s32 $0xFFFFFFE0  }
0x71: {  	[tilespmem:s14], [sflag:$0x2] =	stream.linear.gather [hbm4b:s29+s2], $0x10000, $0x38;
	[tilespmem:$0x10080] =	vst v63  }
0x72: {  	_ =	swait.ge [sflag:s13], $0x10000  }
0x73: {  	[sflag:s13] =	ssyncset.done $0x0  }
0x74: {  	[sflag:s13] =	ssyncadd.s32 $0xFFFF0000  }
0x75: {  	v3 =	vld [tilespmem:$0x0];
	_ =	sdelay $0x4  }
0x76: {  	v58 =	vshll.u32 v3, $0x4  }
0x77: {  	v3 =	vand.u32 $0x7, v3;
	v4 =	vand.u32 $0xFFFFFF80, v58  }
0x78: {  	v3 =	vor.u32 v3, v4  }
0x79: {  	v4 =	vperm.xlane v3, v0;
	_ =	sdelay $0x1  }
0x7a: {  	v4 =	vadd.s32 v1, v4;
	_ =	sdelay $0x4  }
0x7b: {  	[hbm4b:s3+s2] =	stream.indirect_vreg.scatter [tilespmem:s14], [sflag:$0x1], $0x80, v4, vm0, $0xb8;
	[tilespmem:$0x10080] =	vst v63  }
0x7c: {  	_ = 	snop  }
0x7d: {  	[hbm4b:s5+s2] =	stream.indirect_vreg.scatter [tilespmem:s30], [sflag:$0x1], $0x80, v4, vm0, $0xb8;
	[tilespmem:$0x10080] =	vst v63  }
0x7e: {  	_ = 	snop  }
0x7f: {  	[hbm4b:s6+s2] =	stream.indirect_vreg.scatter [tilespmem:s31], [sflag:$0x1], $0x80, v4, vm0, $0xb8;
	[tilespmem:$0x10080] =	vst v63  }
0x80: {  	_ = 	snop  }
0x81: {  	[hbm4b:s7+s2] =	stream.indirect_vreg.scatter [tilespmem:s0], [sflag:$0x1], $0x80, v4, vm0, $0xb8;
	[tilespmem:$0x10080] =	vst v63  }
0x82: {  	_ = 	snop  }
0x83: {  	[hbm4b:s8+s2] =	stream.indirect_vreg.scatter [tilespmem:s1], [sflag:$0x1], $0x80, v4, vm0, $0xb8;
	[tilespmem:$0x10080] =	vst v63  }
0x84: {  	v3 =	vperm.xlane v3, v2  }
0x85: {  	[hbm4b:s9+s2] =	stream.indirect_vreg.scatter [tilespmem:s4], [sflag:$0x1], $0x80, v4, vm0, $0xb8;
	[tilespmem:$0x10080] =	vst v63  }
0x86: {  	v3 =	vadd.s32 v1, v3  }
0x87: {  	[hbm4b:s10+s2] =	stream.indirect_vreg.scatter [tilespmem:s15], [sflag:$0x1], $0x80, v4, vm0, $0xb8;
	[tilespmem:$0x10080] =	vst v63  }
0x88: {  	_ = 	snop  }
0x89: {  	[hbm4b:s11+s2] =	stream.indirect_vreg.scatter [tilespmem:s16], [sflag:$0x1], $0x80, v4, vm0, $0xb8;
	[tilespmem:$0x10080] =	vst v63  }
0x8a: {  	_ = 	snop  }
0x8b: {  	[hbm4b:s3+s2] =	stream.indirect_vreg.scatter [tilespmem:s17], [sflag:$0x1], $0x80, v3, vm0, $0xb8;
	[tilespmem:$0x10080] =	vst v63  }
0x8c: {  	_ = 	snop  }
0x8d: {  	[hbm4b:s5+s2] =	stream.indirect_vreg.scatter [tilespmem:s18], [sflag:$0x1], $0x80, v3, vm0, $0xb8;
	[tilespmem:$0x10080] =	vst v63  }
0x8e: {  	_ = 	snop  }
0x8f: {  	[hbm4b:s6+s2] =	stream.indirect_vreg.scatter [tilespmem:s19], [sflag:$0x1], $0x80, v3, vm0, $0xb8;
	[tilespmem:$0x10080] =	vst v63  }
0x90: {  	_ = 	snop  }
0x91: {  	[hbm4b:s7+s2] =	stream.indirect_vreg.scatter [tilespmem:s20], [sflag:$0x1], $0x80, v3, vm0, $0xb8;
	[tilespmem:$0x10080] =	vst v63  }
0x92: {  	_ = 	snop  }
0x93: {  	[hbm4b:s8+s2] =	stream.indirect_vreg.scatter [tilespmem:s21], [sflag:$0x1], $0x80, v3, vm0, $0xb8;
	[tilespmem:$0x10080] =	vst v63  }
0x94: {  	_ = 	snop  }
0x95: {  	[hbm4b:s9+s2] =	stream.indirect_vreg.scatter [tilespmem:s22], [sflag:$0x1], $0x80, v3, vm0, $0xb8;
	[tilespmem:$0x10080] =	vst v63  }
0x96: {  	_ = 	snop  }
0x97: {  	[hbm4b:s10+s2] =	stream.indirect_vreg.scatter [tilespmem:s23], [sflag:$0x1], $0x80, v3, vm0, $0xb8;
	[tilespmem:$0x10080] =	vst v63  }
0x98: {  	_ = 	snop  }
0x99: {  	[hbm4b:s11+s2] =	stream.indirect_vreg.scatter [tilespmem:s24], [sflag:$0x1], $0x80, v3, vm0, $0xb8;
	[tilespmem:$0x10080] =	vst v63  }
0x9a: {  	v3 =	vld [tilespmem:$0x10];
	_ =	sdelay $0x4  }
0x9b: {  	v59 =	vshll.u32 v3, $0x4  }
0x9c: {  	v3 =	vand.u32 $0x7, v3;
	v4 =	vand.u32 $0xFFFFFF80, v59  }
0x9d: {  	v3 =	vor.u32 v3, v4  }
0x9e: {  	v4 =	vperm.xlane v3, v0;
	_ =	sdelay $0x1  }
0x9f: {  	v4 =	vadd.s32 v1, v4;
	_ =	sdelay $0x4  }
0xa0: {  	[hbm4b:s3+s2] =	stream.indirect_vreg.scatter [tilespmem:s25], [sflag:$0x1], $0x80, v4, vm0, $0xb8;
	[tilespmem:$0x10080] =	vst v63  }
0xa1: {  	_ = 	snop  }
0xa2: {  	[hbm4b:s5+s2] =	stream.indirect_vreg.scatter [tilespmem:s26], [sflag:$0x1], $0x80, v4, vm0, $0xb8;
	[tilespmem:$0x10080] =	vst v63  }
0xa3: {  	s29 =	simm.s32 $0x9080  }
0xa4: {  	[hbm4b:s6+s2] =	stream.indirect_vreg.scatter [tilespmem:s29], [sflag:$0x1], $0x80, v4, vm0, $0xb8;
	[tilespmem:$0x10080] =	vst v63  }
0xa5: {  	s29 =	simm.s32 $0x9880  }
0xa6: {  	[hbm4b:s7+s2] =	stream.indirect_vreg.scatter [tilespmem:s29], [sflag:$0x1], $0x80, v4, vm0, $0xb8;
	[tilespmem:$0x10080] =	vst v63  }
0xa7: {  	s29 =	simm.s32 $0xA080  }
0xa8: {  	[hbm4b:s8+s2] =	stream.indirect_vreg.scatter [tilespmem:s29], [sflag:$0x1], $0x80, v4, vm0, $0xb8;
	[tilespmem:$0x10080] =	vst v63  }
0xa9: {  	v3 =	vperm.xlane v3, v2;
	s29 =	simm.s32 $0xA880  }
0xaa: {  	[hbm4b:s9+s2] =	stream.indirect_vreg.scatter [tilespmem:s29], [sflag:$0x1], $0x80, v4, vm0, $0xb8;
	[tilespmem:$0x10080] =	vst v63  }
0xab: {  	v3 =	vadd.s32 v1, v3;
	s29 =	simm.s32 $0xB080  }
0xac: {  	[hbm4b:s10+s2] =	stream.indirect_vreg.scatter [tilespmem:s29], [sflag:$0x1], $0x80, v4, vm0, $0xb8;
	[tilespmem:$0x10080] =	vst v63  }
0xad: {  	s29 =	simm.s32 $0xB880  }
0xae: {  	[hbm4b:s11+s2] =	stream.indirect_vreg.scatter [tilespmem:s29], [sflag:$0x1], $0x80, v4, vm0, $0xb8;
	[tilespmem:$0x10080] =	vst v63  }
0xaf: {  	s29 =	simm.s32 $0xC080  }
0xb0: {  	[hbm4b:s3+s2] =	stream.indirect_vreg.scatter [tilespmem:s29], [sflag:$0x1], $0x80, v3, vm0, $0xb8;
	[tilespmem:$0x10080] =	vst v63  }
0xb1: {  	s29 =	simm.s32 $0xC880  }
0xb2: {  	[hbm4b:s5+s2] =	stream.indirect_vreg.scatter [tilespmem:s29], [sflag:$0x1], $0x80, v3, vm0, $0xb8;
	[tilespmem:$0x10080] =	vst v63  }
0xb3: {  	s29 =	simm.s32 $0xD080  }
0xb4: {  	[hbm4b:s6+s2] =	stream.indirect_vreg.scatter [tilespmem:s29], [sflag:$0x1], $0x80, v3, vm0, $0xb8;
	[tilespmem:$0x10080] =	vst v63  }
0xb5: {  	s29 =	simm.s32 $0xD880  }
0xb6: {  	[hbm4b:s7+s2] =	stream.indirect_vreg.scatter [tilespmem:s29], [sflag:$0x1], $0x80, v3, vm0, $0xb8;
	[tilespmem:$0x10080] =	vst v63  }
0xb7: {  	s29 =	simm.s32 $0xE080  }
0xb8: {  	[hbm4b:s8+s2] =	stream.indirect_vreg.scatter [tilespmem:s29], [sflag:$0x1], $0x80, v3, vm0, $0xb8;
	[tilespmem:$0x10080] =	vst v63  }
0xb9: {  	s29 =	simm.s32 $0xE880  }
0xba: {  	[hbm4b:s9+s2] =	stream.indirect_vreg.scatter [tilespmem:s29], [sflag:$0x1], $0x80, v3, vm0, $0xb8;
	[tilespmem:$0x10080] =	vst v63  }
0xbb: {  	s29 =	simm.s32 $0xF080  }
0xbc: {  	[hbm4b:s10+s2] =	stream.indirect_vreg.scatter [tilespmem:s29], [sflag:$0x1], $0x80, v3, vm0, $0xb8;
	[tilespmem:$0x10080] =	vst v63  }
0xbd: {  	s29 =	simm.s32 $0xF880  }
0xbe: {  	[hbm4b:s11+s2] =	stream.indirect_vreg.scatter [tilespmem:s29], [sflag:$0x1], $0x80, v3, vm0, $0xb8;
	[tilespmem:$0x10080] =	vst v63  }
0xbf: {  	_ =	swait.ge [sflag:s28], $0x10000  }
0xc0: {  	[sflag:s28] =	ssyncset.done $0x0  }
0xc1: {  	s29 =	rddreg [dreg:$0x6];
	[sflag:s28] =	ssyncadd.s32 $0xFFFF0000  }
0xc2: {  	[tilespmem:s2], [sflag:$0x2] =	stream.linear.gather [hbm4b:s29+s2], $0x20, $0x38;
	[tilespmem:$0x10080] =	vst v63  }
0xc3: {  	_ =	swait.ge [sflag:s13], $0x20  }
0xc4: {  	[sflag:s13] =	ssyncset.done $0x0  }
0xc5: {  	s29 =	rddreg [dreg:$0x7];
	[sflag:s13] =	ssyncadd.s32 $0xFFFFFFE0  }
0xc6: {  	[tilespmem:s14], [sflag:$0x2] =	stream.linear.gather [hbm4b:s29+s2], $0x10000, $0x38;
	[tilespmem:$0x10080] =	vst v63  }
0xc7: {  	_ =	swait.ge [sflag:s13], $0x10000  }
0xc8: {  	[sflag:s13] =	ssyncset.done $0x0  }
0xc9: {  	[sflag:s13] =	ssyncadd.s32 $0xFFFF0000  }
0xca: {  	v3 =	vld [tilespmem:$0x0];
	_ =	sdelay $0x4  }
0xcb: {  	v60 =	vshll.u32 v3, $0x4  }
0xcc: {  	v3 =	vand.u32 $0x7, v3;
	v4 =	vand.u32 $0xFFFFFF80, v60  }
0xcd: {  	v3 =	vor.u32 v3, v4  }
0xce: {  	v4 =	vperm.xlane v3, v0;
	_ =	sdelay $0x1  }
0xcf: {  	v4 =	vadd.s32 v1, v4;
	_ =	sdelay $0x4  }
0xd0: {  	[hbm4b:s3+s2] =	stream.indirect_vreg.scatter [tilespmem:s14], [sflag:$0x1], $0x80, v4, vm0, $0xb8;
	[tilespmem:$0x10080] =	vst v63  }
0xd1: {  	_ = 	snop  }
0xd2: {  	[hbm4b:s5+s2] =	stream.indirect_vreg.scatter [tilespmem:s30], [sflag:$0x1], $0x80, v4, vm0, $0xb8;
	[tilespmem:$0x10080] =	vst v63  }
0xd3: {  	_ = 	snop  }
0xd4: {  	[hbm4b:s6+s2] =	stream.indirect_vreg.scatter [tilespmem:s31], [sflag:$0x1], $0x80, v4, vm0, $0xb8;
	[tilespmem:$0x10080] =	vst v63  }
0xd5: {  	_ = 	snop  }
0xd6: {  	[hbm4b:s7+s2] =	stream.indirect_vreg.scatter [tilespmem:s0], [sflag:$0x1], $0x80, v4, vm0, $0xb8;
	[tilespmem:$0x10080] =	vst v63  }
0xd7: {  	_ = 	snop  }
0xd8: {  	[hbm4b:s8+s2] =	stream.indirect_vreg.scatter [tilespmem:s1], [sflag:$0x1], $0x80, v4, vm0, $0xb8;
	[tilespmem:$0x10080] =	vst v63  }
0xd9: {  	v3 =	vperm.xlane v3, v2  }
0xda: {  	[hbm4b:s9+s2] =	stream.indirect_vreg.scatter [tilespmem:s4], [sflag:$0x1], $0x80, v4, vm0, $0xb8;
	[tilespmem:$0x10080] =	vst v63  }
0xdb: {  	v3 =	vadd.s32 v1, v3  }
0xdc: {  	[hbm4b:s10+s2] =	stream.indirect_vreg.scatter [tilespmem:s15], [sflag:$0x1], $0x80, v4, vm0, $0xb8;
	[tilespmem:$0x10080] =	vst v63  }
0xdd: {  	_ = 	snop  }
0xde: {  	[hbm4b:s11+s2] =	stream.indirect_vreg.scatter [tilespmem:s16], [sflag:$0x1], $0x80, v4, vm0, $0xb8;
	[tilespmem:$0x10080] =	vst v63  }
0xdf: {  	_ = 	snop  }
0xe0: {  	[hbm4b:s3+s2] =	stream.indirect_vreg.scatter [tilespmem:s17], [sflag:$0x1], $0x80, v3, vm0, $0xb8;
	[tilespmem:$0x10080] =	vst v63  }
0xe1: {  	_ = 	snop  }
0xe2: {  	[hbm4b:s5+s2] =	stream.indirect_vreg.scatter [tilespmem:s18], [sflag:$0x1], $0x80, v3, vm0, $0xb8;
	[tilespmem:$0x10080] =	vst v63  }
0xe3: {  	_ = 	snop  }
0xe4: {  	[hbm4b:s6+s2] =	stream.indirect_vreg.scatter [tilespmem:s19], [sflag:$0x1], $0x80, v3, vm0, $0xb8;
	[tilespmem:$0x10080] =	vst v63  }
0xe5: {  	_ = 	snop  }
0xe6: {  	[hbm4b:s7+s2] =	stream.indirect_vreg.scatter [tilespmem:s20], [sflag:$0x1], $0x80, v3, vm0, $0xb8;
	[tilespmem:$0x10080] =	vst v63  }
0xe7: {  	_ = 	snop  }
0xe8: {  	[hbm4b:s8+s2] =	stream.indirect_vreg.scatter [tilespmem:s21], [sflag:$0x1], $0x80, v3, vm0, $0xb8;
	[tilespmem:$0x10080] =	vst v63  }
0xe9: {  	_ = 	snop  }
0xea: {  	[hbm4b:s9+s2] =	stream.indirect_vreg.scatter [tilespmem:s22], [sflag:$0x1], $0x80, v3, vm0, $0xb8;
	[tilespmem:$0x10080] =	vst v63  }
0xeb: {  	_ = 	snop  }
0xec: {  	[hbm4b:s10+s2] =	stream.indirect_vreg.scatter [tilespmem:s23], [sflag:$0x1], $0x80, v3, vm0, $0xb8;
	[tilespmem:$0x10080] =	vst v63  }
0xed: {  	_ = 	snop  }
0xee: {  	[hbm4b:s11+s2] =	stream.indirect_vreg.scatter [tilespmem:s24], [sflag:$0x1], $0x80, v3, vm0, $0xb8;
	[tilespmem:$0x10080] =	vst v63  }
0xef: {  	v3 =	vld [tilespmem:$0x10];
	_ =	sdelay $0x4  }
0xf0: {  	v61 =	vshll.u32 v3, $0x4  }
0xf1: {  	v3 =	vand.u32 $0x7, v3;
	v4 =	vand.u32 $0xFFFFFF80, v61  }
0xf2: {  	v3 =	vor.u32 v3, v4  }
0xf3: {  	v4 =	vperm.xlane v3, v0;
	_ =	sdelay $0x1  }
0xf4: {  	v4 =	vadd.s32 v1, v4;
	_ =	sdelay $0x4  }
0xf5: {  	[hbm4b:s3+s2] =	stream.indirect_vreg.scatter [tilespmem:s25], [sflag:$0x1], $0x80, v4, vm0, $0xb8;
	[tilespmem:$0x10080] =	vst v63  }
0xf6: {  	_ = 	snop  }
0xf7: {  	[hbm4b:s5+s2] =	stream.indirect_vreg.scatter [tilespmem:s26], [sflag:$0x1], $0x80, v4, vm0, $0xb8;
	[tilespmem:$0x10080] =	vst v63  }
0xf8: {  	s29 =	simm.s32 $0x9080  }
0xf9: {  	[hbm4b:s6+s2] =	stream.indirect_vreg.scatter [tilespmem:s29], [sflag:$0x1], $0x80, v4, vm0, $0xb8;
	[tilespmem:$0x10080] =	vst v63  }
0xfa: {  	s29 =	simm.s32 $0x9880  }
0xfb: {  	[hbm4b:s7+s2] =	stream.indirect_vreg.scatter [tilespmem:s29], [sflag:$0x1], $0x80, v4, vm0, $0xb8;
	[tilespmem:$0x10080] =	vst v63  }
0xfc: {  	s29 =	simm.s32 $0xA080  }
0xfd: {  	[hbm4b:s8+s2] =	stream.indirect_vreg.scatter [tilespmem:s29], [sflag:$0x1], $0x80, v4, vm0, $0xb8;
	[tilespmem:$0x10080] =	vst v63  }
0xfe: {  	v3 =	vperm.xlane v3, v2;
	s29 =	simm.s32 $0xA880  }
0xff: {  	[hbm4b:s9+s2] =	stream.indirect_vreg.scatter [tilespmem:s29], [sflag:$0x1], $0x80, v4, vm0, $0xb8;
	[tilespmem:$0x10080] =	vst v63  }
0x100: {  	v3 =	vadd.s32 v1, v3;
	s29 =	simm.s32 $0xB080  }
0x101: {  	[hbm4b:s10+s2] =	stream.indirect_vreg.scatter [tilespmem:s29], [sflag:$0x1], $0x80, v4, vm0, $0xb8;
	[tilespmem:$0x10080] =	vst v63  }
0x102: {  	s29 =	simm.s32 $0xB880  }
0x103: {  	[hbm4b:s11+s2] =	stream.indirect_vreg.scatter [tilespmem:s29], [sflag:$0x1], $0x80, v4, vm0, $0xb8;
	[tilespmem:$0x10080] =	vst v63  }
0x104: {  	s29 =	simm.s32 $0xC080  }
0x105: {  	[hbm4b:s3+s2] =	stream.indirect_vreg.scatter [tilespmem:s29], [sflag:$0x1], $0x80, v3, vm0, $0xb8;
	[tilespmem:$0x10080] =	vst v63  }
0x106: {  	s29 =	simm.s32 $0xC880  }
0x107: {  	[hbm4b:s5+s2] =	stream.indirect_vreg.scatter [tilespmem:s29], [sflag:$0x1], $0x80, v3, vm0, $0xb8;
	[tilespmem:$0x10080] =	vst v63  }
0x108: {  	s29 =	simm.s32 $0xD080  }
0x109: {  	[hbm4b:s6+s2] =	stream.indirect_vreg.scatter [tilespmem:s29], [sflag:$0x1], $0x80, v3, vm0, $0xb8;
	[tilespmem:$0x10080] =	vst v63  }
0x10a: {  	s29 =	simm.s32 $0xD880  }
0x10b: {  	[hbm4b:s7+s2] =	stream.indirect_vreg.scatter [tilespmem:s29], [sflag:$0x1], $0x80, v3, vm0, $0xb8;
	[tilespmem:$0x10080] =	vst v63  }
0x10c: {  	s29 =	simm.s32 $0xE080  }
0x10d: {  	[hbm4b:s8+s2] =	stream.indirect_vreg.scatter [tilespmem:s29], [sflag:$0x1], $0x80, v3, vm0, $0xb8;
	[tilespmem:$0x10080] =	vst v63  }
0x10e: {  	s29 =	simm.s32 $0xE880  }
0x10f: {  	[hbm4b:s9+s2] =	stream.indirect_vreg.scatter [tilespmem:s29], [sflag:$0x1], $0x80, v3, vm0, $0xb8;
	[tilespmem:$0x10080] =	vst v63  }
0x110: {  	s29 =	simm.s32 $0xF080  }
0x111: {  	[hbm4b:s10+s2] =	stream.indirect_vreg.scatter [tilespmem:s29], [sflag:$0x1], $0x80, v3, vm0, $0xb8;
	[tilespmem:$0x10080] =	vst v63  }
0x112: {  	s29 =	simm.s32 $0xF880  }
0x113: {  	[hbm4b:s11+s2] =	stream.indirect_vreg.scatter [tilespmem:s29], [sflag:$0x1], $0x80, v3, vm0, $0xb8;
	[tilespmem:$0x10080] =	vst v63  }
0x114: {  	_ =	swait.ge [sflag:s28], $0x10000  }
0x115: {  	[sflag:s28] =	ssyncset.done $0x0  }
0x116: {  	s29 =	rddreg [dreg:$0x8];
	[sflag:s28] =	ssyncadd.s32 $0xFFFF0000  }
0x117: {  	[tilespmem:s2], [sflag:$0x2] =	stream.linear.gather [hbm4b:s29+s2], $0x20, $0x38;
	[tilespmem:$0x10080] =	vst v63  }
0x118: {  	_ =	swait.ge [sflag:s13], $0x20  }
0x119: {  	[sflag:s13] =	ssyncset.done $0x0  }
0x11a: {  	s29 =	rddreg [dreg:$0x9];
	[sflag:s13] =	ssyncadd.s32 $0xFFFFFFE0  }
0x11b: {  	[tilespmem:s14], [sflag:$0x2] =	stream.linear.gather [hbm4b:s29+s2], $0x10000, $0x38;
	[tilespmem:$0x10080] =	vst v63  }
0x11c: {  	_ =	swait.ge [sflag:s13], $0x10000  }
0x11d: {  	[sflag:s13] =	ssyncset.done $0x0  }
0x11e: {  	[sflag:s13] =	ssyncadd.s32 $0xFFFF0000  }
0x11f: {  	v3 =	vld [tilespmem:$0x0];
	_ =	sdelay $0x4  }
0x120: {  	v62 =	vshll.u32 v3, $0x4  }
0x121: {  	v3 =	vand.u32 $0x7, v3;
	v4 =	vand.u32 $0xFFFFFF80, v62  }
0x122: {  	v3 =	vor.u32 v3, v4  }
0x123: {  	v4 =	vperm.xlane v3, v0;
	_ =	sdelay $0x1  }
0x124: {  	v4 =	vadd.s32 v1, v4;
	_ =	sdelay $0x4  }
0x125: {  	[hbm4b:s3+s2] =	stream.indirect_vreg.scatter [tilespmem:s14], [sflag:$0x1], $0x80, v4, vm0, $0xb8;
	[tilespmem:$0x10080] =	vst v63  }
0x126: {  	_ = 	snop  }
0x127: {  	[hbm4b:s5+s2] =	stream.indirect_vreg.scatter [tilespmem:s30], [sflag:$0x1], $0x80, v4, vm0, $0xb8;
	[tilespmem:$0x10080] =	vst v63  }
0x128: {  	_ = 	snop  }
0x129: {  	[hbm4b:s6+s2] =	stream.indirect_vreg.scatter [tilespmem:s31], [sflag:$0x1], $0x80, v4, vm0, $0xb8;
	[tilespmem:$0x10080] =	vst v63  }
0x12a: {  	_ = 	snop  }
0x12b: {  	[hbm4b:s7+s2] =	stream.indirect_vreg.scatter [tilespmem:s0], [sflag:$0x1], $0x80, v4, vm0, $0xb8;
	[tilespmem:$0x10080] =	vst v63  }
0x12c: {  	_ = 	snop  }
0x12d: {  	[hbm4b:s8+s2] =	stream.indirect_vreg.scatter [tilespmem:s1], [sflag:$0x1], $0x80, v4, vm0, $0xb8;
	[tilespmem:$0x10080] =	vst v63  }
0x12e: {  	v3 =	vperm.xlane v3, v2  }
0x12f: {  	[hbm4b:s9+s2] =	stream.indirect_vreg.scatter [tilespmem:s4], [sflag:$0x1], $0x80, v4, vm0, $0xb8;
	[tilespmem:$0x10080] =	vst v63  }
0x130: {  	v3 =	vadd.s32 v1, v3  }
0x131: {  	[hbm4b:s10+s2] =	stream.indirect_vreg.scatter [tilespmem:s15], [sflag:$0x1], $0x80, v4, vm0, $0xb8;
	[tilespmem:$0x10080] =	vst v63  }
0x132: {  	_ = 	snop  }
0x133: {  	[hbm4b:s11+s2] =	stream.indirect_vreg.scatter [tilespmem:s16], [sflag:$0x1], $0x80, v4, vm0, $0xb8;
	[tilespmem:$0x10080] =	vst v63  }
0x134: {  	_ = 	snop  }
0x135: {  	[hbm4b:s3+s2] =	stream.indirect_vreg.scatter [tilespmem:s17], [sflag:$0x1], $0x80, v3, vm0, $0xb8;
	[tilespmem:$0x10080] =	vst v63  }
0x136: {  	_ = 	snop  }
0x137: {  	[hbm4b:s5+s2] =	stream.indirect_vreg.scatter [tilespmem:s18], [sflag:$0x1], $0x80, v3, vm0, $0xb8;
	[tilespmem:$0x10080] =	vst v63  }
0x138: {  	_ = 	snop  }
0x139: {  	[hbm4b:s6+s2] =	stream.indirect_vreg.scatter [tilespmem:s19], [sflag:$0x1], $0x80, v3, vm0, $0xb8;
	[tilespmem:$0x10080] =	vst v63  }
0x13a: {  	_ = 	snop  }
0x13b: {  	[hbm4b:s7+s2] =	stream.indirect_vreg.scatter [tilespmem:s20], [sflag:$0x1], $0x80, v3, vm0, $0xb8;
	[tilespmem:$0x10080] =	vst v63  }
0x13c: {  	_ = 	snop  }
0x13d: {  	[hbm4b:s8+s2] =	stream.indirect_vreg.scatter [tilespmem:s21], [sflag:$0x1], $0x80, v3, vm0, $0xb8;
	[tilespmem:$0x10080] =	vst v63  }
0x13e: {  	_ = 	snop  }
0x13f: {  	[hbm4b:s9+s2] =	stream.indirect_vreg.scatter [tilespmem:s22], [sflag:$0x1], $0x80, v3, vm0, $0xb8;
	[tilespmem:$0x10080] =	vst v63  }
0x140: {  	_ = 	snop  }
0x141: {  	[hbm4b:s10+s2] =	stream.indirect_vreg.scatter [tilespmem:s23], [sflag:$0x1], $0x80, v3, vm0, $0xb8;
	[tilespmem:$0x10080] =	vst v63  }
0x142: {  	_ = 	snop  }
0x143: {  	[hbm4b:s11+s2] =	stream.indirect_vreg.scatter [tilespmem:s24], [sflag:$0x1], $0x80, v3, vm0, $0xb8;
	[tilespmem:$0x10080] =	vst v63  }
0x144: {  	v3 =	vld [tilespmem:$0x10];
	_ =	sdelay $0x4  }
0x145: {  	v63 =	vshll.u32 v3, $0x4  }
0x146: {  	v3 =	vand.u32 $0x7, v3;
	v4 =	vand.u32 $0xFFFFFF80, v63  }
0x147: {  	v3 =	vor.u32 v3, v4  }
0x148: {  	v4 =	vperm.xlane v3, v0;
	_ =	sdelay $0x1  }
0x149: {  	v4 =	vadd.s32 v1, v4;
	_ =	sdelay $0x4  }
0x14a: {  	[hbm4b:s3+s2] =	stream.indirect_vreg.scatter [tilespmem:s25], [sflag:$0x1], $0x80, v4, vm0, $0xb8;
	[tilespmem:$0x10080] =	vst v63  }
0x14b: {  	_ = 	snop  }
0x14c: {  	[hbm4b:s5+s2] =	stream.indirect_vreg.scatter [tilespmem:s26], [sflag:$0x1], $0x80, v4, vm0, $0xb8;
	[tilespmem:$0x10080] =	vst v63  }
0x14d: {  	s29 =	simm.s32 $0x9080  }
0x14e: {  	[hbm4b:s6+s2] =	stream.indirect_vreg.scatter [tilespmem:s29], [sflag:$0x1], $0x80, v4, vm0, $0xb8;
	[tilespmem:$0x10080] =	vst v63  }
0x14f: {  	s29 =	simm.s32 $0x9880  }
0x150: {  	[hbm4b:s7+s2] =	stream.indirect_vreg.scatter [tilespmem:s29], [sflag:$0x1], $0x80, v4, vm0, $0xb8;
	[tilespmem:$0x10080] =	vst v63  }
0x151: {  	s29 =	simm.s32 $0xA080  }
0x152: {  	[hbm4b:s8+s2] =	stream.indirect_vreg.scatter [tilespmem:s29], [sflag:$0x1], $0x80, v4, vm0, $0xb8;
	[tilespmem:$0x10080] =	vst v63  }
0x153: {  	v3 =	vperm.xlane v3, v2;
	s29 =	simm.s32 $0xA880  }
0x154: {  	[hbm4b:s9+s2] =	stream.indirect_vreg.scatter [tilespmem:s29], [sflag:$0x1], $0x80, v4, vm0, $0xb8;
	[tilespmem:$0x10080] =	vst v63  }
0x155: {  	v3 =	vadd.s32 v1, v3;
	s29 =	simm.s32 $0xB080  }
0x156: {  	[hbm4b:s10+s2] =	stream.indirect_vreg.scatter [tilespmem:s29], [sflag:$0x1], $0x80, v4, vm0, $0xb8;
	[tilespmem:$0x10080] =	vst v63  }
0x157: {  	s29 =	simm.s32 $0xB880  }
0x158: {  	[hbm4b:s11+s2] =	stream.indirect_vreg.scatter [tilespmem:s29], [sflag:$0x1], $0x80, v4, vm0, $0xb8;
	[tilespmem:$0x10080] =	vst v63  }
0x159: {  	s29 =	simm.s32 $0xC080  }
0x15a: {  	[hbm4b:s3+s2] =	stream.indirect_vreg.scatter [tilespmem:s29], [sflag:$0x1], $0x80, v3, vm0, $0xb8;
	[tilespmem:$0x10080] =	vst v63  }
0x15b: {  	s29 =	simm.s32 $0xC880  }
0x15c: {  	[hbm4b:s5+s2] =	stream.indirect_vreg.scatter [tilespmem:s29], [sflag:$0x1], $0x80, v3, vm0, $0xb8;
	[tilespmem:$0x10080] =	vst v63  }
0x15d: {  	s29 =	simm.s32 $0xD080  }
0x15e: {  	[hbm4b:s6+s2] =	stream.indirect_vreg.scatter [tilespmem:s29], [sflag:$0x1], $0x80, v3, vm0, $0xb8;
	[tilespmem:$0x10080] =	vst v63  }
0x15f: {  	s29 =	simm.s32 $0xD880  }
0x160: {  	[hbm4b:s7+s2] =	stream.indirect_vreg.scatter [tilespmem:s29], [sflag:$0x1], $0x80, v3, vm0, $0xb8;
	[tilespmem:$0x10080] =	vst v63  }
0x161: {  	s29 =	simm.s32 $0xE080  }
0x162: {  	[hbm4b:s8+s2] =	stream.indirect_vreg.scatter [tilespmem:s29], [sflag:$0x1], $0x80, v3, vm0, $0xb8;
	[tilespmem:$0x10080] =	vst v63  }
0x163: {  	s29 =	simm.s32 $0xE880  }
0x164: {  	[hbm4b:s9+s2] =	stream.indirect_vreg.scatter [tilespmem:s29], [sflag:$0x1], $0x80, v3, vm0, $0xb8;
	[tilespmem:$0x10080] =	vst v63  }
0x165: {  	p0 =	sne.s32 s12, $0x1;
	s29 =	simm.s32 $0xF080  }
0x166: {  	[hbm4b:s10+s2] =	stream.indirect_vreg.scatter [tilespmem:s29], [sflag:$0x1], $0x80, v3, vm0, $0xb8;
	[tilespmem:$0x10080] =	vst v63  }
.Ltmp0:
0x167: {  	s29 =	simm.s32 $0xF880;
	(pc) =	sbr.rel @p0 .LBB2_1-.Ltmp0, $4  }
0x168: {  	[hbm4b:s11+s2] =	stream.indirect_vreg.scatter [tilespmem:s29], [sflag:$0x1], $0x80, v3, vm0, $0xb8;
	[tilespmem:$0x10080] =	vst v63  }
0x169: {  	_ =	swait.ge [sflag:s28], $0x10000  }
0x16a: {  	[sflag:s28] =	ssyncset.done $0x0  }
0x16b: {  	s12 =	sadd.s32 $0xFFFFFFFF, s12;
	[sflag:s28] =	ssyncadd.s32 $0xFFFF0000  }
0x16c: {  	_ =	sfence.sel $0x180000  }
0x16d: {  	[bflag:$0x0] =	sbarrier.arrive $0xFFFF  }
0x16e: {  	_ =	strace $0x90000047  }
0x16f: {  	s0 =	stileid.u32;
	[bflag:$0x2] =	sbarrier.arrive $0xFFFF  }
0x170: {  	p0 =	sne.s32 s0, $0x0;
	s0 =	rddreg [dreg:$0x2]  }
0x171: {  	s0 =	sadd.s32 @!p0 $0x100000, s0  }
0x172: {  	[sflag:s0] =	ssyncadd.tile.s32 @!p0 $0x1;
	_ =	shalt  }
.Lfunc_end2:
_tile_overlayer_lowered:
.L_overlay_start_2:
0x173: {  	(tag) =	ssettag $0x2  }
0x174: {  	s0 =	rddreg [dreg:$0x0];
	s2 =	stileid.u32  }
0x175: {  	s1 =	rddreg [dreg:$0x1];
	p0 =	sne.s32 s2, $0x0  }
0x176: {  	s3 =	rddreg [dreg:$0x2];
	[bflag:$0x3] =	sbarrier.arrive $0xFFFF;
	s2 =	simm.s32 @!p0 $0x1C02  }
0x177: {  	[timem:s3], [sflag:s2] =	dma.local @!p0 [hbm:s0], s1  }
0x178: {  	s0 =	simm.s32 @!p0 $0x2  }
0x179: {  	_ =	swait.ge @!p0 [sflag:s0], s1  }
0x17a: {  	s1 =	ssub.s32 @!p0 $0x0, s1;
	[sflag:s0] =	ssyncset.done @!p0 $0x0  }
0x17b: {  	[sflag:s0] =	ssyncadd.s32 @!p0 s1  }
0x17c: {  	[bflag:$0x3] =	sbarrier.arrive $0xFFFF  }
0x17d: {  	_ =	shalt  }

// kernel: kernel.9.cloned.1.call-start
scs
__scs_entry_jumppad:
0x0: {  	(pc) =	sbr.rel $0x88, $3  }
0x1: {  	(tag) =	ssettag $0x0;
	lr =	simm.s32 $0x1  }
0x2: {  	[smem:$0x3F9D] =	sst lr;
	_ =	strace $0xD0000000  }
0x3: {  	_ = 	snop  }
0x4: {  	_ = 	snop  }
0x5: {  	_ = 	snop  }
0x6: {  	_ = 	snop  }
0x7: {  	_ = 	snop  }
__scs_overlays_trampoline_lowered:
0x8: {  	[smem:$0x3FAC] =	sst s0  }
0x9: {  	[smem:$0x3FAD] =	sst s1  }
0xa: {  	[smem:$0x3FAE] =	sst s2  }
0xb: {  	[smem:$0x3FAF] =	sst s3  }
0xc: {  	[smem:$0x3FB0] =	sst s4  }
0xd: {  	[smem:$0x3FB1] =	sst s5  }
0xe: {  	[smem:$0x3FB2] =	sst s6  }
0xf: {  	[smem:$0x3FB3] =	sst s7  }
0x10: {  	[smem:$0x3FB4] =	sst s8  }
0x11: {  	[smem:$0x3FB5] =	sst s9;
	s0 =	simm.s32 @!p0 $0x0  }
0x12: {  	s1 =	sld [smem:$0x3F9B];
	s0 =	simm.s32 @p0 $0x1  }
0x13: {  	[smem:$0x3FB6] =	sst s0;
	s0 =	simm.s32 @!p1 $0x0  }
0x14: {  	s2 =	sld [smem:$0x3F9A];
	s0 =	simm.s32 @p1 $0x1  }
0x15: {  	[smem:$0x3FB7] =	sst s0;
	s0 =	simm.s32 @!p2 $0x0  }
0x16: {  	s3 =	sld [smem:$0x3FDB];
	s0 =	simm.s32 @p2 $0x1  }
0x17: {  	s4 =	simm.s32 $0x1BF5;
	[smem:$0x3FB9] =	sst s0  }
0x18: {  	s0 =	sld [smem:$0x3F9C];
	_ =	swait.ge [sflag:s4], $0x0  }
0x19: {  	s7 =	sld [smem:$0x3F9D]  }
0x1a: {  	s8 =	sadd.s32 $0xFFFFE003, lr  }
0x1b: {  	s9 =	sadd.s32 $0xFFFFFEF7, lr;
	s5 =	simm.s32 $0xFFFFFFFF;
	p2 =	slt.u32 s8, $0xFFFFF086  }
0x1c: {  	p1 =	slt.u32 s9, $0xF7A;
	s5 =	simm.s32 @!p2 $0x0  }
0x1d: {  	s5 =	simm.s32 @p1 $0x1;
	p0 =	seq.s32 s7, s2  }
0x1e: {  	s7 =	smul.u32 @!p0 $0xF7A, s2;
	p2 =	seq.s32 @!p0 s5, $0x0  }
0x1f: {  	s9 =	smul.u32 $0xF7A, s1;
	s8 =	simm.s32 @!p0 $0x1BF5;
	p2 =	por !p2, p0  }
0x20: {  	[sflag:s8] =	ssyncset.s32 @!p0 $0xFFFFF086;
	s6 =	sadd.s32 @!p0 s3, s7;
	s7 =	simm.s32 @!p0 $0x108  }
0x21: {  	s3 =	sadd.s32 s3, s9;
	s6 =	sadd.s32 @!p0 $0x88, s6;
	s7 =	simm.s32 @p2 $0x1082  }
0x22: {  	[simem:s7], [sflag:s8] =	dma.local @!p0 [hbm:s6], $0xF7A  }
0x23: {  	s9 =	sor.u32 $0xD0000000, s2;
	s6 =	simm.s32 $0x108;
	_ =	swait.ge @!p0 [sflag:s8], $0x0  }
0x24: {  	s3 =	sadd.s32 $0x88, s3;
	s6 =	simm.s32 @!p1 $0x1082;
	[sflag:s4] =	ssyncset.s32 $0xFFFFF086  }
0x25: {  	[simem:s6], [sflag:s4] =	dma.local [hbm:s3], $0xF7A  }
0x26: {  	[smem:$0x3F9D] =	sst s1;
	(tag) =	ssettag s2;
	_ =	strace s9  }
0x27: {  	s1 =	sld [smem:$0x3FAD]  }
0x28: {  	s2 =	sld [smem:$0x3FAE]  }
0x29: {  	s4 =	sld [smem:$0x3FB0]  }
0x2a: {  	p0 =	seq.s32 s5, $0x0;
	s5 =	sld [smem:$0x3FB1]  }
0x2b: {  	s6 =	sld [smem:$0x3FB2]  }
0x2c: {  	s7 =	sld [smem:$0x3FB3]  }
0x2d: {  	s3 =	simm.s32 $0x108;
	s8 =	sld [smem:$0x3FB4]  }
0x2e: {  	s3 =	simm.s32 @!p0 $0x1082;
	s9 =	sld [smem:$0x3FB5]  }
0x2f: {  	lr =	sadd.s32 s0, s3;
	s0 =	sld [smem:$0x3FAC]  }
0x30: {  	s3 =	sld [smem:$0x3FAF]  }
0x31: {  	[smem:$0x3FB8] =	sst s10  }
0x32: {  	s10 =	sld [smem:$0x3FB6];
	_ =	sdelay $0x3  }
0x33: {  	p0 =	seq.s32 s10, $0x1;
	s10 =	sld [smem:$0x3FB8];
	_ =	sdelay $0x3  }
0x34: {  	[smem:$0x3FB8] =	sst s10  }
0x35: {  	s10 =	sld [smem:$0x3FB7];
	_ =	sdelay $0x3  }
0x36: {  	p1 =	seq.s32 s10, $0x1;
	s10 =	sld [smem:$0x3FB8];
	_ =	sdelay $0x3  }
0x37: {  	[smem:$0x3FB8] =	sst s10  }
0x38: {  	s10 =	sld [smem:$0x3FB9]  }
0x39: {  	_ = 	snop;
	(pc) =	sbr.ind lr, $3  }
0x3a: {  	_ = 	snop  }
0x3b: {  	_ = 	snop  }
0x3c: {  	p2 =	seq.s32 s10, $0x1;
	s10 =	sld [smem:$0x3FB8]  }
0x3d: {  	_ =	shalt  }
0x3e: {  	_ =	shalt  }
0x3f: {  	_ =	shalt  }
0x40: {  	_ =	shalt  }
0x41: {  	_ =	shalt  }
0x42: {  	_ =	shalt  }
0x43: {  	_ =	shalt  }
0x44: {  	_ =	shalt  }
0x45: {  	_ =	shalt  }
0x46: {  	_ =	shalt  }
0x47: {  	_ =	shalt  }
0x48: {  	_ =	shalt  }
0x49: {  	_ =	shalt  }
0x4a: {  	_ =	shalt  }
0x4b: {  	_ =	shalt  }
0x4c: {  	_ =	shalt  }
0x4d: {  	_ =	shalt  }
0x4e: {  	_ =	shalt  }
0x4f: {  	_ =	shalt  }
0x50: {  	_ =	shalt  }
0x51: {  	_ =	shalt  }
0x52: {  	_ =	shalt  }
0x53: {  	_ =	shalt  }
0x54: {  	_ =	shalt  }
0x55: {  	_ =	shalt  }
0x56: {  	_ =	shalt  }
0x57: {  	_ =	shalt  }
0x58: {  	_ =	shalt  }
0x59: {  	_ =	shalt  }
0x5a: {  	_ =	shalt  }
0x5b: {  	_ =	shalt  }
0x5c: {  	_ =	shalt  }
0x5d: {  	_ =	shalt  }
0x5e: {  	_ =	shalt  }
0x5f: {  	_ =	shalt  }
0x60: {  	_ =	shalt  }
0x61: {  	_ =	shalt  }
0x62: {  	_ =	shalt  }
0x63: {  	_ =	shalt  }
0x64: {  	_ =	shalt  }
0x65: {  	_ =	shalt  }
0x66: {  	_ =	shalt  }
0x67: {  	_ =	shalt  }
0x68: {  	_ =	shalt  }
0x69: {  	_ =	shalt  }
0x6a: {  	_ =	shalt  }
0x6b: {  	_ =	shalt  }
0x6c: {  	_ =	shalt  }
0x6d: {  	_ =	shalt  }
0x6e: {  	_ =	shalt  }
0x6f: {  	_ =	shalt  }
0x70: {  	_ =	shalt  }
0x71: {  	_ =	shalt  }
0x72: {  	_ =	shalt  }
0x73: {  	_ =	shalt  }
0x74: {  	_ =	shalt  }
0x75: {  	_ =	shalt  }
0x76: {  	_ =	shalt  }
0x77: {  	_ =	shalt  }
0x78: {  	_ =	shalt  }
0x79: {  	_ =	shalt  }
0x7a: {  	_ =	shalt  }
0x7b: {  	_ =	shalt  }
0x7c: {  	_ =	shalt  }
0x7d: {  	_ =	shalt  }
0x7e: {  	_ =	shalt  }
0x7f: {  	_ =	shalt  }
0x80: {  	_ =	shalt  }
0x81: {  	_ =	shalt  }
0x82: {  	_ =	shalt  }
0x83: {  	_ =	shalt  }
0x84: {  	_ =	shalt  }
0x85: {  	_ =	shalt  }
0x86: {  	_ =	shalt  }
0x87: {  	_ =	shalt  }
.Lfunc_end0:
.L_simem_size_0:
called_computation.1_lowered:
.L_overlay_start_0:
0x88: {  	s2 =	sld [smem:$0x3FD9]  }
0x89: {  	s3 =	sld [smem:$0x3FFE];
	_ =	sdelay $0x1  }
0x8a: {  	s1 =	srdreg.scid  }
0x8b: {  	s0 =	sand.u32 $0x1, s1  }
0x8c: {  	s17 =	sshll.u32 s0, $0xA;
	s2 =	sadd.s32 s3, s2  }
0x8d: {  	s2 =	sadd.s32 s2, s17  }
0x8e: {  	[smem:$0x3FC4] =	sst s2  }
0x8f: {  	_ = 	snop  }
0x90: {  	s2 =	sld [smem:$0x3FD0];
	(tm) =	ssettm $0x1  }
0x91: {  	s18 =	sld [smem:$0x3FFB];
	_ =	sdelay $0x3  }
0x92: {  	_ =	strace s18  }
0x93: {  	s3 =	sld [smem:$0x3FFC];
	_ =	sdelay $0x3  }
0x94: {  	_ =	strace s3  }
0x95: {  	s3 =	sld [smem:$0x3FFD];
	_ =	sdelay $0x3  }
0x96: {  	_ =	strace s3  }
0x97: {  	_ =	strace $0x8FFFFFFF  }
0x98: {  	s19 =	sld [smem:$0x3FDB];
	_ =	sdelay $0x1  }
0x99: {  	s4 =	simm.s32 $_scs_section_size  }
0x9a: {  	s5 =	simm.s32 $_size__tile_overlayer_lowered;
	s6 =	simm.s32 $_tile_overlayer_lowered  }
0x9b: {  	s22 =	simm.s32 $0x1BFF;
	s21 =	sshll.u32 s6, $0x1;
	s3 =	sadd.s32 s4, s19  }
0x9c: {  	s7 =	simm.s32 $0x0;
	s20 =	sshll.u32 s5, $0x1;
	s5 =	sadd.s32 s21, s3  }
0x9d: {  	[timem:s7], [sflag:s22] =	dma.local [hbm:s5], s20  }
0x9e: {  	_ =	swait.ge [sflag:s22], s20  }
0x9f: {  	s4 =	ssub.s32 $0x0, s20;
	[sflag:s22] =	ssyncset.done $0x0  }
0xa0: {  	[sflag:s22] =	ssyncadd.s32 s4;
	_ =	sdelay $0x1  }
0xa1: {  	s23 =	simm.s32 $0x1B8B  }
0xa2: {  	_ =	swait.ge [sflag:s23], $0x1  }
0xa3: {  	[sflag:s23] =	ssyncset.done $0x0  }
0xa4: {  	s25 =	simm.s32 $0x1B8E;
	s24 =	sld [smem:$0x3FFE];
	[sflag:s23] =	ssyncadd.s32 $0xFFFFFFFF  }
0xa5: {  	s26 =	simm.s32 $execute0_lowered;
	[smem:$0x3FD2] =	sst s25  }
0xa6: {  	s5 =	sshll.u32 s26, $0x1;
	_ =	strace $0x80000049;
	[dreg:$0x1] =	wrdreg $0xFFFFFFFF  }
0xa7: {  	s28 =	simm.s32 $_size_execute0_lowered;
	s3 =	sadd.s32 s3, s5;
	[dreg:$0x0] =	wrdreg $0x0  }
0xa8: {  	s5 =	sshll.u32 s28, $0x1;
	[dreg:$0x2] =	wrdreg s3  }
0xa9: {  	[dreg:$0x3] =	wrdreg s5  }
0xaa: {  	[dreg:$0x4] =	wrdreg $0xC0  }
0xab: {  	_ =	task [dreg:s7], $0x5FFFF  }
0xac: {  	[dreg:$0x1] =	wrdreg $0xFFFFFFFF  }
0xad: {  	[dreg:$0x0] =	wrdreg $0x60  }
0xae: {  	[dreg:$0x2] =	wrdreg s24  }
0xaf: {  	[dreg:$0x3] =	wrdreg s2  }
0xb0: {  	[dreg:$0x4] =	wrdreg $0x9  }
0xb1: {  	_ =	task.clear_ibuf [dreg:s7], $0x5FFFF;
	_ =	strace $0x90000049  }
0xb2: {  	s29 =	simm.s32 $0x9;
	_ =	strace $0x8000004B  }
0xb3: {  	_ =	swait.ge [sflag:s29], $0x1  }
0xb4: {  	[sflag:s29] =	ssyncadd.s32 $0xFFFFFFFF  }
0xb5: {  	_ =	strace $0x9000004B  }
0xb6: {  	_ =	sfence  }
0xb7: {  	s30 =	sld [smem:$0x0];
	_ =	sdelay $0x2  }
0xb8: {  	s31 =	sshll.u32 s1, $0xD;
	s1 =	sshrl.u32 s1, $0x2  }
0xb9: {  	s3 =	sand.u32 $0x4000, s31;
	s1 =	sadd.s32 s1, s30  }
0xba: {  	s0 =	sor.u32 s3, s0;
	s1 =	sshll.u32 s1, $0x11  }
0xbb: {  	s0 =	sor.u32 s1, s0  }
0xbc: {  	s0 =	sadd.s32 $0x8F2B, s0  }
0xbd: {  	[sflag:s0] =	ssyncadd.remote.s32 $0x1  }
0xbe: {  	_ =	sfence.sel $0xFFFF  }
0xbf: {  	[dreg:$0x0] =	wrdreg $0xFFFFFFFF;
	(pc) =	sbr.abs _section_cstart, $3  }
0xc0: {  	[dreg:$0x1] =	wrdreg $0xFFFFFFFF  }
0xc1: {  	_ =	task.clear_ibuf [dreg:s7], $0x2FFFF;
	_ =	strace $0x9FFFFFFF  }
0xc2: {  	(tm) =	ssettm $0x7FFFFFFF  }
0xc3: {  	_ =	shalt  }
tec
execute0_lowered:
.L_overlay_start_1:
0x0: {  	(tag) =	ssettag $0x1  }
0x1: {  	s0 =	srdreg.scid;
	s1 =	rddreg [dreg:$0x0]  }
0x2: {  	s4 =	stileid.u32;
	s6 =	rddreg [dreg:$0x1]  }
0x3: {  	s9 =	simm.s32 $0x2;
	s19 =	simm.s32 $0x1;
	s21 =	simm.s32 $0x880  }
0x4: {  	s22 =	simm.s32 $0x1080;
	s28 =	simm.s32 $0x3880;
	s29 =	simm.s32 $0x4080  }
0x5: {  	s30 =	simm.s32 $0x4880;
	s31 =	simm.s32 $0x5080;
	s11 =	simm.s32 $0x6880  }
0x6: {  	s12 =	simm.s32 $0x7080;
	s13 =	simm.s32 $0x8080;
	s14 =	simm.s32 $0x8880  }
0x7: {  	s15 =	simm.s32 $0x9080;
	s16 =	simm.s32 $0x9880;
	s0 =	sand.u32 $0x1, s0  }
0x8: {  	s17 =	simm.s32 $0xA080;
	s18 =	simm.s32 $0xA880;
	s2 =	sshll.u32 s0, $0x4  }
0x9: {  	s10 =	simm.s32 $0xB080;
	s0 =	ssub.s32 $0x2, s0;
	s5 =	sor.u32 s4, s2  }
0xa: {  	s4 =	sshll.u32 s4, $0x4;
	s2 =	simm.s32 $0x0;
	s23 =	sshrl.u32 s0, $0x1  }
0xb: {  	s3 =	sshll.u32 s5, $0x4;
	s4 =	sand.u32 $0x70, s4;
	[smem:$0x7FF] =	sst s2  }
0xc: {  	s0 =	ssub.s32 s0, s23;
	s8 =	sshll.u32 s5, $0xE;
	s5 =	sadd.s32 $0x171400, s1  }
0xd: {  	s23 =	simm.s32 $0x1880;
	s3 =	sand.u32 $0x180, s3;
	_ =	strace $0x8000004A  }
0xe: {  	s8 =	sadd.s32 s6, s8;
	s3 =	sor.u32 s4, s3;
	s4 =	sadd.s32 $0x171300, s1  }
0xf: {  	[dreg:$0x6] =	wrdreg s8;
	s26 =	sadd.s32 $0x2000, s8;
	s8 =	smax.u32 s0, $0x1  }
0x10: {  	s0 =	simm.s32 $0x80;
	s7 =	sadd.s32 s3, s1;
	s3 =	sadd.s32 $0x171200, s1  }
0x11: {  	v2 =	vlaneseq.u32;
	[dreg:$0x5] =	wrdreg s26;
	s26 =	simm.s32 $0x3080;
	s24 =	sadd.s32 $0x1000, s7  }
0x12: {  	vm0 =	vmmov $0xffff;
	v1 =	vshrl.u32 v2, $0x3;
	s25 =	sadd.s32 $0x1008, s7;
	s7 =	sadd.s32 $0x171500, s1;
	[dreg:$0x3] =	wrdreg s24  }
0x13: {  	v0 =	vand.u32 $0x7, v2;
	v2 =	vor.u32 $0x8, v2;
	v1 =	vmul.u32 $0x8, v1;
	[dreg:$0x4] =	wrdreg s25;
	s24 =	simm.s32 $0x2080;
	s25 =	simm.s32 $0x2880  }
.LBB2_1:
0x14: {  	s20 =	rddreg [dreg:$0x3]  }
0x15: {  	[tilespmem:s2], [sflag:$0x2] =	stream.linear.gather [hbm4b:s20+s2], $0x40, $0x38;
	[tilespmem:$0x10080] =	vst v63  }
0x16: {  	_ =	swait.ge [sflag:s9], $0x40  }
0x17: {  	[sflag:s9] =	ssyncset.done $0x0  }
0x18: {  	[sflag:s9] =	ssyncadd.s32 $0xFFFFFFC0  }
0x19: {  	v3 =	vld [tilespmem:$0x0];
	_ =	sdelay $0x4  }
0x1a: {  	v4 =	vshll.u32 v3, $0x3  }
0x1b: {  	v3 =	vand.u32 $0x7, v3;
	v4 =	vand.u32 $0xFFFFFFC0, v4  }
0x1c: {  	v3 =	vor.u32 v3, v4  }
0x1d: {  	v4 =	vperm.xlane v3, v0;
	_ =	sdelay $0x1  }
0x1e: {  	v4 =	vadd.s32 v1, v4;
	_ =	sdelay $0x4  }
0x1f: {  	[tilespmem:s0], [sflag:$0x1] =	stream.indirect_vreg.gather [hbm4b:s3+s2], $0x80, v4, vm0, $0xb8;
	[tilespmem:$0x10080] =	vst v63  }
0x20: {  	v3 =	vperm.xlane v3, v2  }
0x21: {  	[tilespmem:s21], [sflag:$0x1] =	stream.indirect_vreg.gather [hbm4b:s4+s2], $0x80, v4, vm0, $0xb8;
	[tilespmem:$0x10080] =	vst v63  }
0x22: {  	v3 =	vadd.s32 v1, v3  }
0x23: {  	[tilespmem:s22], [sflag:$0x1] =	stream.indirect_vreg.gather [hbm4b:s5+s2], $0x80, v4, vm0, $0xb8;
	[tilespmem:$0x10080] =	vst v63  }
0x24: {  	_ = 	snop  }
0x25: {  	[tilespmem:s23], [sflag:$0x1] =	stream.indirect_vreg.gather [hbm4b:s7+s2], $0x80, v4, vm0, $0xb8;
	[tilespmem:$0x10080] =	vst v63  }
0x26: {  	_ = 	snop  }
0x27: {  	[tilespmem:s24], [sflag:$0x1] =	stream.indirect_vreg.gather [hbm4b:s3+s2], $0x80, v3, vm0, $0xb8;
	[tilespmem:$0x10080] =	vst v63  }
0x28: {  	_ = 	snop  }
0x29: {  	[tilespmem:s25], [sflag:$0x1] =	stream.indirect_vreg.gather [hbm4b:s4+s2], $0x80, v3, vm0, $0xb8;
	[tilespmem:$0x10080] =	vst v63  }
0x2a: {  	_ = 	snop  }
0x2b: {  	[tilespmem:s26], [sflag:$0x1] =	stream.indirect_vreg.gather [hbm4b:s5+s2], $0x80, v3, vm0, $0xb8;
	[tilespmem:$0x10080] =	vst v63  }
0x2c: {  	_ = 	snop  }
0x2d: {  	[tilespmem:s28], [sflag:$0x1] =	stream.indirect_vreg.gather [hbm4b:s7+s2], $0x80, v3, vm0, $0xb8;
	[tilespmem:$0x10080] =	vst v63  }
0x2e: {  	v3 =	vld [tilespmem:$0x10];
	_ =	sdelay $0x4  }
0x2f: {  	v57 =	vshll.u32 v3, $0x3  }
0x30: {  	v3 =	vand.u32 $0x7, v3;
	v4 =	vand.u32 $0xFFFFFFC0, v57  }
0x31: {  	v3 =	vor.u32 v3, v4  }
0x32: {  	v4 =	vperm.xlane v3, v0;
	_ =	sdelay $0x1  }
0x33: {  	v4 =	vadd.s32 v1, v4;
	_ =	sdelay $0x4  }
0x34: {  	[tilespmem:s29], [sflag:$0x1] =	stream.indirect_vreg.gather [hbm4b:s3+s2], $0x80, v4, vm0, $0xb8;
	[tilespmem:$0x10080] =	vst v63  }
0x35: {  	v3 =	vperm.xlane v3, v2  }
0x36: {  	[tilespmem:s30], [sflag:$0x1] =	stream.indirect_vreg.gather [hbm4b:s4+s2], $0x80, v4, vm0, $0xb8;
	[tilespmem:$0x10080] =	vst v63  }
0x37: {  	v3 =	vadd.s32 v1, v3  }
0x38: {  	[tilespmem:s31], [sflag:$0x1] =	stream.indirect_vreg.gather [hbm4b:s5+s2], $0x80, v4, vm0, $0xb8;
	[tilespmem:$0x10080] =	vst v63  }
0x39: {  	s1 =	simm.s32 $0x5880  }
0x3a: {  	[tilespmem:s1], [sflag:$0x1] =	stream.indirect_vreg.gather [hbm4b:s7+s2], $0x80, v4, vm0, $0xb8;
	[tilespmem:$0x10080] =	vst v63  }
0x3b: {  	s6 =	simm.s32 $0x6080  }
0x3c: {  	[tilespmem:s6], [sflag:$0x1] =	stream.indirect_vreg.gather [hbm4b:s3+s2], $0x80, v3, vm0, $0xb8;
	[tilespmem:$0x10080] =	vst v63  }
0x3d: {  	_ = 	snop  }
0x3e: {  	[tilespmem:s11], [sflag:$0x1] =	stream.indirect_vreg.gather [hbm4b:s4+s2], $0x80, v3, vm0, $0xb8;
	[tilespmem:$0x10080] =	vst v63  }
0x3f: {  	_ = 	snop  }
0x40: {  	[tilespmem:s12], [sflag:$0x1] =	stream.indirect_vreg.gather [hbm4b:s5+s2], $0x80, v3, vm0, $0xb8;
	[tilespmem:$0x10080] =	vst v63  }
0x41: {  	s6 =	simm.s32 $0x7880  }
0x42: {  	[tilespmem:s6], [sflag:$0x1] =	stream.indirect_vreg.gather [hbm4b:s7+s2], $0x80, v3, vm0, $0xb8;
	[tilespmem:$0x10080] =	vst v63  }
0x43: {  	v3 =	vld [tilespmem:$0x20];
	_ =	sdelay $0x4  }
0x44: {  	v58 =	vshll.u32 v3, $0x3  }
0x45: {  	v3 =	vand.u32 $0x7, v3;
	v4 =	vand.u32 $0xFFFFFFC0, v58  }
0x46: {  	v3 =	vor.u32 v3, v4  }
0x47: {  	v4 =	vperm.xlane v3, v0;
	_ =	sdelay $0x1  }
0x48: {  	v4 =	vadd.s32 v1, v4;
	_ =	sdelay $0x4  }
0x49: {  	[tilespmem:s13], [sflag:$0x1] =	stream.indirect_vreg.gather [hbm4b:s3+s2], $0x80, v4, vm0, $0xb8;
	[tilespmem:$0x10080] =	vst v63  }
0x4a: {  	v3 =	vperm.xlane v3, v2  }
0x4b: {  	[tilespmem:s14], [sflag:$0x1] =	stream.indirect_vreg.gather [hbm4b:s4+s2], $0x80, v4, vm0, $0xb8;
	[tilespmem:$0x10080] =	vst v63  }
0x4c: {  	v3 =	vadd.s32 v1, v3  }
0x4d: {  	[tilespmem:s15], [sflag:$0x1] =	stream.indirect_vreg.gather [hbm4b:s5+s2], $0x80, v4, vm0, $0xb8;
	[tilespmem:$0x10080] =	vst v63  }
0x4e: {  	_ = 	snop  }
0x4f: {  	[tilespmem:s16], [sflag:$0x1] =	stream.indirect_vreg.gather [hbm4b:s7+s2], $0x80, v4, vm0, $0xb8;
	[tilespmem:$0x10080] =	vst v63  }
0x50: {  	_ = 	snop  }
0x51: {  	[tilespmem:s17], [sflag:$0x1] =	stream.indirect_vreg.gather [hbm4b:s3+s2], $0x80, v3, vm0, $0xb8;
	[tilespmem:$0x10080] =	vst v63  }
0x52: {  	_ = 	snop  }
0x53: {  	[tilespmem:s18], [sflag:$0x1] =	stream.indirect_vreg.gather [hbm4b:s4+s2], $0x80, v3, vm0, $0xb8;
	[tilespmem:$0x10080] =	vst v63  }
0x54: {  	_ = 	snop  }
0x55: {  	[tilespmem:s10], [sflag:$0x1] =	stream.indirect_vreg.gather [hbm4b:s5+s2], $0x80, v3, vm0, $0xb8;
	[tilespmem:$0x10080] =	vst v63  }
0x56: {  	s20 =	simm.s32 $0xB880  }
0x57: {  	[tilespmem:s20], [sflag:$0x1] =	stream.indirect_vreg.gather [hbm4b:s7+s2], $0x80, v3, vm0, $0xb8;
	[tilespmem:$0x10080] =	vst v63  }
0x58: {  	v3 =	vld [tilespmem:$0x30];
	_ =	sdelay $0x4  }
0x59: {  	v59 =	vshll.u32 v3, $0x3  }
0x5a: {  	v3 =	vand.u32 $0x7, v3;
	v4 =	vand.u32 $0xFFFFFFC0, v59  }
0x5b: {  	v3 =	vor.u32 v3, v4  }
0x5c: {  	v4 =	vperm.xlane v3, v0;
	_ =	sdelay $0x1  }
0x5d: {  	v4 =	vadd.s32 v1, v4;
	_ =	sdelay $0x3  }
0x5e: {  	s20 =	simm.s32 $0xC080  }
0x5f: {  	[tilespmem:s20], [sflag:$0x1] =	stream.indirect_vreg.gather [hbm4b:s3+s2], $0x80, v4, vm0, $0xb8;
	[tilespmem:$0x10080] =	vst v63  }
0x60: {  	v3 =	vperm.xlane v3, v2;
	s20 =	simm.s32 $0xC880  }
0x61: {  	[tilespmem:s20], [sflag:$0x1] =	stream.indirect_vreg.gather [hbm4b:s4+s2], $0x80, v4, vm0, $0xb8;
	[tilespmem:$0x10080] =	vst v63  }
0x62: {  	v3 =	vadd.s32 v1, v3;
	s20 =	simm.s32 $0xD080  }
0x63: {  	[tilespmem:s20], [sflag:$0x1] =	stream.indirect_vreg.gather [hbm4b:s5+s2], $0x80, v4, vm0, $0xb8;
	[tilespmem:$0x10080] =	vst v63  }
0x64: {  	s20 =	simm.s32 $0xD880  }
0x65: {  	[tilespmem:s20], [sflag:$0x1] =	stream.indirect_vreg.gather [hbm4b:s7+s2], $0x80, v4, vm0, $0xb8;
	[tilespmem:$0x10080] =	vst v63  }
0x66: {  	s20 =	simm.s32 $0xE080  }
0x67: {  	[tilespmem:s20], [sflag:$0x1] =	stream.indirect_vreg.gather [hbm4b:s3+s2], $0x80, v3, vm0, $0xb8;
	[tilespmem:$0x10080] =	vst v63  }
0x68: {  	s20 =	simm.s32 $0xE880  }
0x69: {  	[tilespmem:s20], [sflag:$0x1] =	stream.indirect_vreg.gather [hbm4b:s4+s2], $0x80, v3, vm0, $0xb8;
	[tilespmem:$0x10080] =	vst v63  }
0x6a: {  	s20 =	simm.s32 $0xF080  }
0x6b: {  	[tilespmem:s20], [sflag:$0x1] =	stream.indirect_vreg.gather [hbm4b:s5+s2], $0x80, v3, vm0, $0xb8;
	[tilespmem:$0x10080] =	vst v63  }
0x6c: {  	s20 =	simm.s32 $0xF880  }
0x6d: {  	[tilespmem:s20], [sflag:$0x1] =	stream.indirect_vreg.gather [hbm4b:s7+s2], $0x80, v3, vm0, $0xb8;
	[tilespmem:$0x10080] =	vst v63  }
0x6e: {  	_ =	swait.ge [sflag:s19], $0x10000  }
0x6f: {  	[sflag:s19] =	ssyncset.done $0x0  }
0x70: {  	s20 =	rddreg [dreg:$0x6];
	[sflag:s19] =	ssyncadd.s32 $0xFFFF0000  }
0x71: {  	[hbm4b:s20+s2] =	stream.linear.scatter [tilespmem:s0], [sflag:$0x2], $0x10000, $0x38;
	[tilespmem:$0x10080] =	vst v63  }
0x72: {  	_ =	swait.ge [sflag:s9], $0x10000  }
0x73: {  	[sflag:s9] =	ssyncset.done $0x0  }
0x74: {  	s20 =	rddreg [dreg:$0x4];
	[sflag:s9] =	ssyncadd.s32 $0xFFFF0000  }
0x75: {  	[tilespmem:s2], [sflag:$0x2] =	stream.linear.gather [hbm4b:s20+s2], $0x40, $0x38;
	[tilespmem:$0x10080] =	vst v63  }
0x76: {  	_ =	swait.ge [sflag:s9], $0x40  }
0x77: {  	[sflag:s9] =	ssyncset.done $0x0  }
0x78: {  	[sflag:s9] =	ssyncadd.s32 $0xFFFFFFC0  }
0x79: {  	v3 =	vld [tilespmem:$0x0];
	_ =	sdelay $0x4  }
0x7a: {  	v60 =	vshll.u32 v3, $0x3  }
0x7b: {  	v3 =	vand.u32 $0x7, v3;
	v4 =	vand.u32 $0xFFFFFFC0, v60  }
0x7c: {  	v3 =	vor.u32 v3, v4  }
0x7d: {  	v4 =	vperm.xlane v3, v0;
	_ =	sdelay $0x1  }
0x7e: {  	v4 =	vadd.s32 v1, v4;
	_ =	sdelay $0x4  }
0x7f: {  	[tilespmem:s0], [sflag:$0x1] =	stream.indirect_vreg.gather [hbm4b:s3+s2], $0x80, v4, vm0, $0xb8;
	[tilespmem:$0x10080] =	vst v63  }
0x80: {  	v3 =	vperm.xlane v3, v2  }
0x81: {  	[tilespmem:s21], [sflag:$0x1] =	stream.indirect_vreg.gather [hbm4b:s4+s2], $0x80, v4, vm0, $0xb8;
	[tilespmem:$0x10080] =	vst v63  }
0x82: {  	v3 =	vadd.s32 v1, v3  }
0x83: {  	[tilespmem:s22], [sflag:$0x1] =	stream.indirect_vreg.gather [hbm4b:s5+s2], $0x80, v4, vm0, $0xb8;
	[tilespmem:$0x10080] =	vst v63  }
0x84: {  	_ = 	snop  }
0x85: {  	[tilespmem:s23], [sflag:$0x1] =	stream.indirect_vreg.gather [hbm4b:s7+s2], $0x80, v4, vm0, $0xb8;
	[tilespmem:$0x10080] =	vst v63  }
0x86: {  	_ = 	snop  }
0x87: {  	[tilespmem:s24], [sflag:$0x1] =	stream.indirect_vreg.gather [hbm4b:s3+s2], $0x80, v3, vm0, $0xb8;
	[tilespmem:$0x10080] =	vst v63  }
0x88: {  	_ = 	snop  }
0x89: {  	[tilespmem:s25], [sflag:$0x1] =	stream.indirect_vreg.gather [hbm4b:s4+s2], $0x80, v3, vm0, $0xb8;
	[tilespmem:$0x10080] =	vst v63  }
0x8a: {  	_ = 	snop  }
0x8b: {  	[tilespmem:s26], [sflag:$0x1] =	stream.indirect_vreg.gather [hbm4b:s5+s2], $0x80, v3, vm0, $0xb8;
	[tilespmem:$0x10080] =	vst v63  }
0x8c: {  	_ = 	snop  }
0x8d: {  	[tilespmem:s28], [sflag:$0x1] =	stream.indirect_vreg.gather [hbm4b:s7+s2], $0x80, v3, vm0, $0xb8;
	[tilespmem:$0x10080] =	vst v63  }
0x8e: {  	v3 =	vld [tilespmem:$0x10];
	_ =	sdelay $0x4  }
0x8f: {  	v61 =	vshll.u32 v3, $0x3  }
0x90: {  	v3 =	vand.u32 $0x7, v3;
	v4 =	vand.u32 $0xFFFFFFC0, v61  }
0x91: {  	v3 =	vor.u32 v3, v4  }
0x92: {  	v4 =	vperm.xlane v3, v0;
	_ =	sdelay $0x1  }
0x93: {  	v4 =	vadd.s32 v1, v4;
	_ =	sdelay $0x4  }
0x94: {  	[tilespmem:s29], [sflag:$0x1] =	stream.indirect_vreg.gather [hbm4b:s3+s2], $0x80, v4, vm0, $0xb8;
	[tilespmem:$0x10080] =	vst v63  }
0x95: {  	v3 =	vperm.xlane v3, v2  }
0x96: {  	[tilespmem:s30], [sflag:$0x1] =	stream.indirect_vreg.gather [hbm4b:s4+s2], $0x80, v4, vm0, $0xb8;
	[tilespmem:$0x10080] =	vst v63  }
0x97: {  	v3 =	vadd.s32 v1, v3  }
0x98: {  	[tilespmem:s31], [sflag:$0x1] =	stream.indirect_vreg.gather [hbm4b:s5+s2], $0x80, v4, vm0, $0xb8;
	[tilespmem:$0x10080] =	vst v63  }
0x99: {  	_ = 	snop  }
0x9a: {  	[tilespmem:s1], [sflag:$0x1] =	stream.indirect_vreg.gather [hbm4b:s7+s2], $0x80, v4, vm0, $0xb8;
	[tilespmem:$0x10080] =	vst v63  }
0x9b: {  	s20 =	simm.s32 $0x6080  }
0x9c: {  	[tilespmem:s20], [sflag:$0x1] =	stream.indirect_vreg.gather [hbm4b:s3+s2], $0x80, v3, vm0, $0xb8;
	[tilespmem:$0x10080] =	vst v63  }
0x9d: {  	_ = 	snop  }
0x9e: {  	[tilespmem:s11], [sflag:$0x1] =	stream.indirect_vreg.gather [hbm4b:s4+s2], $0x80, v3, vm0, $0xb8;
	[tilespmem:$0x10080] =	vst v63  }
0x9f: {  	_ = 	snop  }
0xa0: {  	[tilespmem:s12], [sflag:$0x1] =	stream.indirect_vreg.gather [hbm4b:s5+s2], $0x80, v3, vm0, $0xb8;
	[tilespmem:$0x10080] =	vst v63  }
0xa1: {  	_ = 	snop  }
0xa2: {  	[tilespmem:s6], [sflag:$0x1] =	stream.indirect_vreg.gather [hbm4b:s7+s2], $0x80, v3, vm0, $0xb8;
	[tilespmem:$0x10080] =	vst v63  }
0xa3: {  	v3 =	vld [tilespmem:$0x20];
	_ =	sdelay $0x4  }
0xa4: {  	v62 =	vshll.u32 v3, $0x3  }
0xa5: {  	v3 =	vand.u32 $0x7, v3;
	v4 =	vand.u32 $0xFFFFFFC0, v62  }
0xa6: {  	v3 =	vor.u32 v3, v4  }
0xa7: {  	v4 =	vperm.xlane v3, v0;
	_ =	sdelay $0x1  }
0xa8: {  	v4 =	vadd.s32 v1, v4;
	_ =	sdelay $0x4  }
0xa9: {  	[tilespmem:s13], [sflag:$0x1] =	stream.indirect_vreg.gather [hbm4b:s3+s2], $0x80, v4, vm0, $0xb8;
	[tilespmem:$0x10080] =	vst v63  }
0xaa: {  	v3 =	vperm.xlane v3, v2  }
0xab: {  	[tilespmem:s14], [sflag:$0x1] =	stream.indirect_vreg.gather [hbm4b:s4+s2], $0x80, v4, vm0, $0xb8;
	[tilespmem:$0x10080] =	vst v63  }
0xac: {  	v3 =	vadd.s32 v1, v3  }
0xad: {  	[tilespmem:s15], [sflag:$0x1] =	stream.indirect_vreg.gather [hbm4b:s5+s2], $0x80, v4, vm0, $0xb8;
	[tilespmem:$0x10080] =	vst v63  }
0xae: {  	_ = 	snop  }
0xaf: {  	[tilespmem:s16], [sflag:$0x1] =	stream.indirect_vreg.gather [hbm4b:s7+s2], $0x80, v4, vm0, $0xb8;
	[tilespmem:$0x10080] =	vst v63  }
0xb0: {  	_ = 	snop  }
0xb1: {  	[tilespmem:s17], [sflag:$0x1] =	stream.indirect_vreg.gather [hbm4b:s3+s2], $0x80, v3, vm0, $0xb8;
	[tilespmem:$0x10080] =	vst v63  }
0xb2: {  	_ = 	snop  }
0xb3: {  	[tilespmem:s18], [sflag:$0x1] =	stream.indirect_vreg.gather [hbm4b:s4+s2], $0x80, v3, vm0, $0xb8;
	[tilespmem:$0x10080] =	vst v63  }
0xb4: {  	_ = 	snop  }
0xb5: {  	[tilespmem:s10], [sflag:$0x1] =	stream.indirect_vreg.gather [hbm4b:s5+s2], $0x80, v3, vm0, $0xb8;
	[tilespmem:$0x10080] =	vst v63  }
0xb6: {  	s20 =	simm.s32 $0xB880  }
0xb7: {  	[tilespmem:s20], [sflag:$0x1] =	stream.indirect_vreg.gather [hbm4b:s7+s2], $0x80, v3, vm0, $0xb8;
	[tilespmem:$0x10080] =	vst v63  }
0xb8: {  	v3 =	vld [tilespmem:$0x30];
	_ =	sdelay $0x4  }
0xb9: {  	v63 =	vshll.u32 v3, $0x3  }
0xba: {  	v3 =	vand.u32 $0x7, v3;
	v4 =	vand.u32 $0xFFFFFFC0, v63  }
0xbb: {  	v3 =	vor.u32 v3, v4  }
0xbc: {  	v4 =	vperm.xlane v3, v0;
	_ =	sdelay $0x1  }
0xbd: {  	v4 =	vadd.s32 v1, v4;
	_ =	sdelay $0x3  }
0xbe: {  	s6 =	simm.s32 $0xC080  }
0xbf: {  	[tilespmem:s6], [sflag:$0x1] =	stream.indirect_vreg.gather [hbm4b:s3+s2], $0x80, v4, vm0, $0xb8;
	[tilespmem:$0x10080] =	vst v63  }
0xc0: {  	s20 =	simm.s32 $0xC880;
	v3 =	vperm.xlane v3, v2  }
0xc1: {  	[tilespmem:s20], [sflag:$0x1] =	stream.indirect_vreg.gather [hbm4b:s4+s2], $0x80, v4, vm0, $0xb8;
	[tilespmem:$0x10080] =	vst v63  }
0xc2: {  	v3 =	vadd.s32 v1, v3;
	s6 =	simm.s32 $0xD080  }
0xc3: {  	[tilespmem:s6], [sflag:$0x1] =	stream.indirect_vreg.gather [hbm4b:s5+s2], $0x80, v4, vm0, $0xb8;
	[tilespmem:$0x10080] =	vst v63  }
0xc4: {  	s20 =	simm.s32 $0xD880  }
0xc5: {  	[tilespmem:s20], [sflag:$0x1] =	stream.indirect_vreg.gather [hbm4b:s7+s2], $0x80, v4, vm0, $0xb8;
	[tilespmem:$0x10080] =	vst v63  }
0xc6: {  	s6 =	simm.s32 $0xE080  }
0xc7: {  	[tilespmem:s6], [sflag:$0x1] =	stream.indirect_vreg.gather [hbm4b:s3+s2], $0x80, v3, vm0, $0xb8;
	[tilespmem:$0x10080] =	vst v63  }
0xc8: {  	s20 =	simm.s32 $0xE880  }
0xc9: {  	[tilespmem:s20], [sflag:$0x1] =	stream.indirect_vreg.gather [hbm4b:s4+s2], $0x80, v3, vm0, $0xb8;
	[tilespmem:$0x10080] =	vst v63  }
0xca: {  	s6 =	simm.s32 $0xF080  }
0xcb: {  	[tilespmem:s6], [sflag:$0x1] =	stream.indirect_vreg.gather [hbm4b:s5+s2], $0x80, v3, vm0, $0xb8;
	[tilespmem:$0x10080] =	vst v63  }
0xcc: {  	s20 =	simm.s32 $0xF880  }
0xcd: {  	[tilespmem:s20], [sflag:$0x1] =	stream.indirect_vreg.gather [hbm4b:s7+s2], $0x80, v3, vm0, $0xb8;
	[tilespmem:$0x10080] =	vst v63  }
0xce: {  	_ =	swait.ge [sflag:s19], $0x10000  }
0xcf: {  	p0 =	sne.s32 s8, $0x1;
	[sflag:s19] =	ssyncset.done $0x0  }
.Ltmp0:
0xd0: {  	s6 =	rddreg [dreg:$0x5];
	[sflag:s19] =	ssyncadd.s32 $0xFFFF0000;
	(pc) =	sbr.rel @p0 .LBB2_1-.Ltmp0, $4  }
0xd1: {  	[hbm4b:s6+s2] =	stream.linear.scatter [tilespmem:s0], [sflag:$0x2], $0x10000, $0x38;
	[tilespmem:$0x10080] =	vst v63  }
0xd2: {  	_ =	swait.ge [sflag:s9], $0x10000  }
0xd3: {  	[sflag:s9] =	ssyncset.done $0x0  }
0xd4: {  	s8 =	sadd.s32 $0xFFFFFFFF, s8;
	[sflag:s9] =	ssyncadd.s32 $0xFFFF0000  }
0xd5: {  	_ =	sfence.sel $0x180000  }
0xd6: {  	[bflag:$0x0] =	sbarrier.arrive $0xFFFF  }
0xd7: {  	_ =	strace $0x9000004A  }
0xd8: {  	s0 =	stileid.u32;
	[bflag:$0x2] =	sbarrier.arrive $0xFFFF  }
0xd9: {  	p0 =	sne.s32 s0, $0x0;
	s0 =	rddreg [dreg:$0x2]  }
0xda: {  	s0 =	sadd.s32 @!p0 $0x100000, s0  }
0xdb: {  	[sflag:s0] =	ssyncadd.tile.s32 @!p0 $0x1;
	_ =	shalt  }
.Lfunc_end2:
_tile_overlayer_lowered:
.L_overlay_start_2:
0xdc: {  	(tag) =	ssettag $0x2  }
0xdd: {  	s0 =	rddreg [dreg:$0x0];
	s2 =	stileid.u32  }
0xde: {  	s1 =	rddreg [dreg:$0x1];
	p0 =	sne.s32 s2, $0x0  }
0xdf: {  	s3 =	rddreg [dreg:$0x2];
	[bflag:$0x3] =	sbarrier.arrive $0xFFFF;
	s2 =	simm.s32 @!p0 $0x1C02  }
0xe0: {  	[timem:s3], [sflag:s2] =	dma.local @!p0 [hbm:s0], s1  }
0xe1: {  	s0 =	simm.s32 @!p0 $0x2  }
0xe2: {  	_ =	swait.ge @!p0 [sflag:s0], s1  }
0xe3: {  	s1 =	ssub.s32 @!p0 $0x0, s1;
	[sflag:s0] =	ssyncset.done @!p0 $0x0  }
0xe4: {  	[sflag:s0] =	ssyncadd.s32 @!p0 s1  }
0xe5: {  	[bflag:$0x3] =	sbarrier.arrive $0xFFFF  }
0xe6: {  	_ =	shalt  }

</sc_bundles>
